<compile_context>
chip_gen: v7x
topology: tpu7x:2x2x1
jax: 0.10.2.dev20260603
libtpu: 0.0.44.dev20260713+nightly
codegen_flags: <defaults>
</compile_context>

<pallas_src>
import functools

import jax
import jax.numpy as jnp
from jax import lax
from jax.experimental import pallas as pl
from jax.experimental.pallas import tpu as pltpu
from jax.experimental.pallas import tpu_sc as plsc

N_NODES = 10000
D = 128
BN_EPS = 1e-5

NW = 32
N_PAD = 10240
ROWS_PER_TILE = N_PAD // 16
CHUNK = 128
NBUF = 2


def _make_sc_agg(n_chunks_total):
    n_chunks = n_chunks_total // NW
    mesh = plsc.VectorSubcoreMesh(core_axis_name="c", subcore_axis_name="s")

    @functools.partial(
        pl.kernel,
        out_type=jax.ShapeDtypeStruct((2, N_PAD, D), jnp.float32),
        mesh=mesh,
        scratch_types=[
            pltpu.VMEM((2, CHUNK), jnp.int32),
            pltpu.VMEM((2, CHUNK), jnp.int32),
            pltpu.VMEM((CHUNK, D), jnp.float32),
            pltpu.VMEM((CHUNK, D), jnp.float32),
            pltpu.VMEM_SHARED((N_PAD, D), jnp.float32),
            pltpu.SemaphoreType.DMA,
            pltpu.SemaphoreType.DMA,
            pltpu.SemaphoreType.DMA,
            pltpu.SemaphoreType.DMA,
        ],
    )
    def sc_agg(feats_hbm, idx_hbm, out_hbm,
               idx_v0, idx_v1, rows_v0, rows_v1, acc_sh,
               sem_i0, sem_i1, sem_g0, sem_g1):
        cid = lax.axis_index("c")
        sid = lax.axis_index("s")
        wid = sid * 2 + cid

        idx_bufs = (idx_v0, idx_v1)
        row_bufs = (rows_v0, rows_v1)
        sem_i = (sem_i0, sem_i1)
        sem_g = (sem_g0, sem_g1)

        def start_idx(k, b):
            pltpu.make_async_copy(idx_hbm.at[k], idx_bufs[b], sem_i[b]).start()

        def wait_idx(b):
            pltpu.make_async_copy(idx_hbm.at[0], idx_bufs[b], sem_i[b]).wait()

        def start_gather(b):
            pltpu.make_async_copy(
                feats_hbm.at[idx_bufs[b].at[0]], row_bufs[b], sem_g[b]
            ).start()

        def wait_gather(b):
            pltpu.make_async_copy(
                feats_hbm.at[idx_bufs[b].at[0]], row_bufs[b], sem_g[b]
            ).wait()

        def zrow(i, _):
            for j in range(D // 16):
                rows_v0[i, pl.ds(j * 16, 16)] = jnp.zeros((16,), jnp.float32)
            return 0

        lax.fori_loop(0, CHUNK, zrow, 0)
        for j in range(ROWS_PER_TILE // CHUNK):
            pltpu.sync_copy(
                rows_v0, acc_sh.at[pl.ds(sid * ROWS_PER_TILE + j * CHUNK, CHUNK)]
            )
        plsc.subcore_barrier()

        kb = wid * n_chunks

        start_idx(kb, 0)
        start_idx(kb + 1, 1)
        wait_idx(0)
        start_gather(0)

        def body(g, _):
            for b in range(NBUF):
                c = NBUF * g + b
                o = 1 - b
                wait_gather(b)

                @pl.when(c + 1 < n_chunks)
                def _():
                    wait_idx(o)
                    start_gather(o)

                pltpu.sync_copy(row_bufs[b], acc_sh.at[idx_bufs[b].at[1]], add=True)

                @pl.when(c + 2 < n_chunks)
                def _():
                    start_idx(kb + c + 2, b)

            return 0

        lax.fori_loop(0, n_chunks // NBUF, body, 0)
        plsc.subcore_barrier()

        pltpu.sync_copy(
            acc_sh.at[pl.ds(sid * ROWS_PER_TILE, ROWS_PER_TILE)],
            out_hbm.at[cid, pl.ds(sid * ROWS_PER_TILE, ROWS_PER_TILE)],
        )

    return sc_agg


def _tc_dense_body(agg2_ref, feats_ref, w_ref, b_ref, wr_ref, br_ref, g_ref, bt_ref, out_ref):
    agg = (agg2_ref[0] + agg2_ref[1])[:N_NODES]
    h = jnp.maximum(
        jax.lax.dot(agg, w_ref[...], preferred_element_type=jnp.float32) + b_ref[...],
        0.0,
    )
    res = jnp.maximum(
        jax.lax.dot(feats_ref[...], wr_ref[...], preferred_element_type=jnp.float32)
        + br_ref[...],
        0.0,
    )
    h = h + res
    mean = jnp.mean(h, axis=0, keepdims=True)
    c = h - mean
    var = jnp.mean(c * c, axis=0, keepdims=True)
    out_ref[...] = c * jax.lax.rsqrt(var + BN_EPS) * g_ref[...] + bt_ref[...]


def kernel(feats, edge_index, W, b, W_res, b_res, gamma, beta):
    e = edge_index.shape[1]
    ei = edge_index.astype(jnp.int32)
    e_pad = -(-e // (NW * CHUNK * NBUF)) * (NW * CHUNK * NBUF)
    pad = e_pad - e
    src = jnp.concatenate([ei[0], jnp.zeros((pad,), jnp.int32)])
    dst = jnp.concatenate([ei[1], jnp.full((pad,), N_NODES, jnp.int32)])
    idx_il = jnp.stack([src.reshape(-1, CHUNK), dst.reshape(-1, CHUNK)], axis=1)

    agg2 = _make_sc_agg(idx_il.shape[0])(feats, idx_il)

    return pl.pallas_call(
        _tc_dense_body,
        out_shape=jax.ShapeDtypeStruct((N_NODES, D), jnp.float32),
    )(
        agg2,
        feats,
        W,
        b.reshape(1, D),
        W_res,
        b_res.reshape(1, D),
        gamma.reshape(1, D),
        beta.reshape(1, D),
    )

# --- scband reference (transcript-rebuilt; emitter-appended) ---
"""Pipeline reference for scband-gcnlayer-1219770712797 (READ-ONLY COPY).

The authoritative reference and input builder live on the scoring server;
editing this copy changes nothing except your own understanding.
"""

import jax, jax.numpy as jnp
import numpy as np

N_NODES = 10000
N_EDGES = 320000
D_IN = 128
D_OUT = 128
BN_EPS = 1e-5


def setup_inputs(seed: int = 0) -> dict:
    key = jax.random.key(seed)
    k_feat, k_edge, k_w, k_b, k_wr, k_br, k_g, k_bt = jax.random.split(key, 8)
    feats = jax.random.normal(k_feat, (N_NODES, D_IN), dtype=jnp.float32)
    edge_index = jax.random.randint(k_edge, (2, N_EDGES), 0, N_NODES, dtype=jnp.int64)
    # GraphConv weight/bias (DGL GraphConv, norm='none')
    W = jax.random.normal(k_w, (D_IN, D_OUT), dtype=jnp.float32) * (1.0 / np.sqrt(D_IN))
    b = jnp.zeros((D_OUT,), dtype=jnp.float32)
    # residual linear
    W_res = jax.random.normal(k_wr, (D_IN, D_OUT), dtype=jnp.float32) * (1.0 / np.sqrt(D_IN))
    b_res = jax.random.normal(k_br, (D_OUT,), dtype=jnp.float32) * 0.01
    # batchnorm affine params
    gamma = jnp.ones((D_OUT,), dtype=jnp.float32)
    beta = jnp.zeros((D_OUT,), dtype=jnp.float32)
    return {
        "feats": feats,
        "edge_index": edge_index,
        "W": W,
        "b": b,
        "W_res": W_res,
        "b_res": b_res,
        "gamma": gamma,
        "beta": beta,
    }


def reference(feats, edge_index, W, b, W_res, b_res, gamma, beta):
    src = edge_index[0]
    dst = edge_index[1]
    # GraphConv with norm='none': sum-aggregate neighbor features, then linear
    msgs = jnp.take(feats, src, axis=0)  # gather [E, D_IN]
    agg = jax.ops.segment_sum(msgs, dst, num_segments=feats.shape[0])  # scatter-add [N, D_IN]
    h = jax.nn.relu(agg @ W + b)  # GraphConv applies activation internally
    # residual connection: activation(Linear(feats))
    res = jax.nn.relu(feats @ W_res + b_res)
    h = h + res
    # dropout p=0.0 -> identity
    # BatchNorm1d (training mode: batch statistics, biased variance)
    mean = jnp.mean(h, axis=0)
    var = jnp.var(h, axis=0)
    h = (h - mean) / jnp.sqrt(var + BN_EPS) * gamma + beta
    return h

if __name__ == "__main__":
    import jax
    _d = setup_inputs()
    print(jax.jit(kernel)(*tuple(_d.values())))

</pallas_src>

<mosaic_0001>
#map = affine_map<(d0, d1) -> (0, 0)>
#map1 = affine_map<(d0, d1) -> (0, 0, 0)>
module attributes {stable_mosaic.version = 14 : i64} {
  func.func @sc_agg(%arg0: i32, %arg1: i32, %arg2: memref<10000x128xf32, #tpu.memory_space<hbm>>, %arg3: memref<2560x2x128xi32, #tpu.memory_space<hbm>>, %arg4: memref<2x10240x128xf32, #tpu.memory_space<hbm>>, %arg5: memref<2x128xi32, #tpu.memory_space<vmem>>, %arg6: memref<2x128xi32, #tpu.memory_space<vmem>>, %arg7: memref<128x128xf32, #tpu.memory_space<vmem>>, %arg8: memref<128x128xf32, #tpu.memory_space<vmem>>, %arg9: memref<10240x128xf32, #tpu.memory_space<vmem_shared>>, %arg10: memref<!tpu.dma_semaphore, #tpu.memory_space<semaphore_mem>>, %arg11: memref<!tpu.dma_semaphore, #tpu.memory_space<semaphore_mem>>, %arg12: memref<!tpu.dma_semaphore, #tpu.memory_space<semaphore_mem>>, %arg13: memref<!tpu.dma_semaphore, #tpu.memory_space<semaphore_mem>>) attributes {dimension_semantics = [#tpu.dimension_semantics<core_parallel>, #tpu.dimension_semantics<subcore_parallel>], iteration_bounds = array<i64: 2, 16>, scalar_prefetch = 0 : i64, scratch_operands = 9 : i64, tpu.core_type = #tpu.core_type<sc_vector_subcore>, window_params = [{transform_indices = #map}, {transform_indices = #map1}, {transform_indices = #map1}]} {
    %mul3A = arith.constant 2 : i32
    %mul3A_0 = arith.muli %arg1, %mul3A : i32
    %add3A = arith.addi %mul3A_0, %arg0 : i32
    %scan3A = arith.constant 0 : i32
    %scan3A_1 = arith.constant 0 : i32
    %scan3A_2 = arith.constant 128 : i32
    %scan3A_3 = arith.addi %scan3A_1, %scan3A_2 : i32
    %scan3A_4 = arith.constant 1 : i32
    %scan3A_5 = scf.for %scan3A_73 = %scan3A_1 to %scan3A_3 step %scan3A_4 iter_args(%scan3A_74 = %scan3A) -> (i32)  : i32 {
      %broadcast_in_dim3A = arith.constant 0.000000e+00 : f32
      %broadcast_in_dim3A_75 = vector.broadcast %broadcast_in_dim3A : f32 to vector<16xf32>
      %swap3A = arith.index_cast %scan3A_73 : i32 to index
      %swap3A_76 = arith.constant 0 : index
      %swap3A_77 = tpu.vector_load %arg7[%swap3A, %swap3A_76] {strides = array<i32>} : memref<128x128xf32, #tpu.memory_space<vmem>>, vector<1x16xf32>,
      %swap3A_78 = vector.shape_cast %swap3A_77 : vector<1x16xf32> to vector<16xf32>
      %swap3A_79 = vector.shape_cast %broadcast_in_dim3A_75 : vector<16xf32> to vector<1x16xf32>
      tpu.vector_store %arg7[%swap3A, %swap3A_76], %swap3A_79 {strides = array<i32>} : memref<128x128xf32, #tpu.memory_space<vmem>>, vector<1x16xf32>,
      %broadcast_in_dim3A_80 = arith.constant 0.000000e+00 : f32
      %broadcast_in_dim3A_81 = vector.broadcast %broadcast_in_dim3A_80 : f32 to vector<16xf32>
      %swap3A_82 = arith.index_cast %scan3A_73 : i32 to index
      %swap3A_83 = arith.constant 16 : index
      %swap3A_84 = tpu.vector_load %arg7[%swap3A_82, %swap3A_83] {strides = array<i32>} : memref<128x128xf32, #tpu.memory_space<vmem>>, vector<1x16xf32>,
      %swap3A_85 = vector.shape_cast %swap3A_84 : vector<1x16xf32> to vector<16xf32>
      %swap3A_86 = vector.shape_cast %broadcast_in_dim3A_81 : vector<16xf32> to vector<1x16xf32>
      tpu.vector_store %arg7[%swap3A_82, %swap3A_83], %swap3A_86 {strides = array<i32>} : memref<128x128xf32, #tpu.memory_space<vmem>>, vector<1x16xf32>,
      %broadcast_in_dim3A_87 = arith.constant 0.000000e+00 : f32
      %broadcast_in_dim3A_88 = vector.broadcast %broadcast_in_dim3A_87 : f32 to vector<16xf32>
      %swap3A_89 = arith.index_cast %scan3A_73 : i32 to index
      %swap3A_90 = arith.constant 32 : index
      %swap3A_91 = tpu.vector_load %arg7[%swap3A_89, %swap3A_90] {strides = array<i32>} : memref<128x128xf32, #tpu.memory_space<vmem>>, vector<1x16xf32>,
      %swap3A_92 = vector.shape_cast %swap3A_91 : vector<1x16xf32> to vector<16xf32>
      %swap3A_93 = vector.shape_cast %broadcast_in_dim3A_88 : vector<16xf32> to vector<1x16xf32>
      tpu.vector_store %arg7[%swap3A_89, %swap3A_90], %swap3A_93 {strides = array<i32>} : memref<128x128xf32, #tpu.memory_space<vmem>>, vector<1x16xf32>,
      %broadcast_in_dim3A_94 = arith.constant 0.000000e+00 : f32
      %broadcast_in_dim3A_95 = vector.broadcast %broadcast_in_dim3A_94 : f32 to vector<16xf32>
      %swap3A_96 = arith.index_cast %scan3A_73 : i32 to index
      %swap3A_97 = arith.constant 48 : index
      %swap3A_98 = tpu.vector_load %arg7[%swap3A_96, %swap3A_97] {strides = array<i32>} : memref<128x128xf32, #tpu.memory_space<vmem>>, vector<1x16xf32>,
      %swap3A_99 = vector.shape_cast %swap3A_98 : vector<1x16xf32> to vector<16xf32>
      %swap3A_100 = vector.shape_cast %broadcast_in_dim3A_95 : vector<16xf32> to vector<1x16xf32>
      tpu.vector_store %arg7[%swap3A_96, %swap3A_97], %swap3A_100 {strides = array<i32>} : memref<128x128xf32, #tpu.memory_space<vmem>>, vector<1x16xf32>,
      %broadcast_in_dim3A_101 = arith.constant 0.000000e+00 : f32
      %broadcast_in_dim3A_102 = vector.broadcast %broadcast_in_dim3A_101 : f32 to vector<16xf32>
      %swap3A_103 = arith.index_cast %scan3A_73 : i32 to index
      %swap3A_104 = arith.constant 64 : index
      %swap3A_105 = tpu.vector_load %arg7[%swap3A_103, %swap3A_104] {strides = array<i32>} : memref<128x128xf32, #tpu.memory_space<vmem>>, vector<1x16xf32>,
      %swap3A_106 = vector.shape_cast %swap3A_105 : vector<1x16xf32> to vector<16xf32>
      %swap3A_107 = vector.shape_cast %broadcast_in_dim3A_102 : vector<16xf32> to vector<1x16xf32>
      tpu.vector_store %arg7[%swap3A_103, %swap3A_104], %swap3A_107 {strides = array<i32>} : memref<128x128xf32, #tpu.memory_space<vmem>>, vector<1x16xf32>,
      %broadcast_in_dim3A_108 = arith.constant 0.000000e+00 : f32
      %broadcast_in_dim3A_109 = vector.broadcast %broadcast_in_dim3A_108 : f32 to vector<16xf32>
      %swap3A_110 = arith.index_cast %scan3A_73 : i32 to index
      %swap3A_111 = arith.constant 80 : index
      %swap3A_112 = tpu.vector_load %arg7[%swap3A_110, %swap3A_111] {strides = array<i32>} : memref<128x128xf32, #tpu.memory_space<vmem>>, vector<1x16xf32>,
      %swap3A_113 = vector.shape_cast %swap3A_112 : vector<1x16xf32> to vector<16xf32>
      %swap3A_114 = vector.shape_cast %broadcast_in_dim3A_109 : vector<16xf32> to vector<1x16xf32>
      tpu.vector_store %arg7[%swap3A_110, %swap3A_111], %swap3A_114 {strides = array<i32>} : memref<128x128xf32, #tpu.memory_space<vmem>>, vector<1x16xf32>,
      %broadcast_in_dim3A_115 = arith.constant 0.000000e+00 : f32
      %broadcast_in_dim3A_116 = vector.broadcast %broadcast_in_dim3A_115 : f32 to vector<16xf32>
      %swap3A_117 = arith.index_cast %scan3A_73 : i32 to index
      %swap3A_118 = arith.constant 96 : index
      %swap3A_119 = tpu.vector_load %arg7[%swap3A_117, %swap3A_118] {strides = array<i32>} : memref<128x128xf32, #tpu.memory_space<vmem>>, vector<1x16xf32>,
      %swap3A_120 = vector.shape_cast %swap3A_119 : vector<1x16xf32> to vector<16xf32>
      %swap3A_121 = vector.shape_cast %broadcast_in_dim3A_116 : vector<16xf32> to vector<1x16xf32>
      tpu.vector_store %arg7[%swap3A_117, %swap3A_118], %swap3A_121 {strides = array<i32>} : memref<128x128xf32, #tpu.memory_space<vmem>>, vector<1x16xf32>,
      %broadcast_in_dim3A_122 = arith.constant 0.000000e+00 : f32
      %broadcast_in_dim3A_123 = vector.broadcast %broadcast_in_dim3A_122 : f32 to vector<16xf32>
      %swap3A_124 = arith.index_cast %scan3A_73 : i32 to index
      %swap3A_125 = arith.constant 112 : index
      %swap3A_126 = tpu.vector_load %arg7[%swap3A_124, %swap3A_125] {strides = array<i32>} : memref<128x128xf32, #tpu.memory_space<vmem>>, vector<1x16xf32>,
      %swap3A_127 = vector.shape_cast %swap3A_126 : vector<1x16xf32> to vector<16xf32>
      %swap3A_128 = vector.shape_cast %broadcast_in_dim3A_123 : vector<16xf32> to vector<1x16xf32>
      tpu.vector_store %arg7[%swap3A_124, %swap3A_125], %swap3A_128 {strides = array<i32>} : memref<128x128xf32, #tpu.memory_space<vmem>>, vector<1x16xf32>,
      %scan3A_129 = arith.constant 0 : i32
      scf.yield %scan3A_129 : i32
    }
    %scan3A_6 = arith.constant 128 : i32
    %mul3A_7 = arith.constant 640 : i32
    %mul3A_8 = arith.muli %arg1, %mul3A_7 : i32
    %add3A_9 = arith.constant 0 : i32
    %add3A_10 = arith.addi %mul3A_8, %add3A_9 : i32
    "tpu.region"() ({
      %run_scoped3A = tpu.sem_alloc : memref<!tpu.dma_semaphore, #tpu.memory_space<semaphore_mem>>
      %dma_start3A_73 = arith.constant 0 : i32
      %dma_start3A_74 = tpu.memref_slice %arg9[%add3A_10, %dma_start3A_73] : memref<10240x128xf32, #tpu.memory_space<vmem_shared>> -> memref<128x128xf32, #tpu.memory_space<vmem_shared>>
      %dma_start3A_75 = arith.constant 0 : i32
      %dma_start3A_76 = tpu.memref_slice %arg9[%add3A_10, %dma_start3A_75] : memref<10240x128xf32, #tpu.memory_space<vmem_shared>> -> memref<128x128xf32, #tpu.memory_space<vmem_shared>>
      tpu.enqueue_dma source(%arg7 : memref<128x128xf32, #tpu.memory_space<vmem>>) target(%dma_start3A_76 : memref<128x128xf32, #tpu.memory_space<vmem_shared>>) target_semaphore(%run_scoped3A : memref<!tpu.dma_semaphore, #tpu.memory_space<semaphore_mem>>)
      %dma_wait3A_77 = arith.constant 0 : i32
      %dma_wait3A_78 = tpu.memref_slice %arg9[%add3A_10, %dma_wait3A_77] : memref<10240x128xf32, #tpu.memory_space<vmem_shared>> -> memref<128x128xf32, #tpu.memory_space<vmem_shared>>
      %dma_wait3A_79 = arith.constant 0 : i32
      %dma_wait3A_80 = tpu.memref_slice %arg9[%add3A_10, %dma_wait3A_79] : memref<10240x128xf32, #tpu.memory_space<vmem_shared>> -> memref<128x128xf32, #tpu.memory_space<vmem_shared>>
      tpu.wait_dma2 semaphore(%run_scoped3A : memref<!tpu.dma_semaphore, #tpu.memory_space<semaphore_mem>>) src(%arg7 : memref<128x128xf32, #tpu.memory_space<vmem>>) dst(%dma_wait3A_80 : memref<128x128xf32, #tpu.memory_space<vmem_shared>>)
      tpu.yield
    }) : () -> ()
    %mul3A_11 = arith.constant 640 : i32
    %mul3A_12 = arith.muli %arg1, %mul3A_11 : i32
    %add3A_13 = arith.constant 128 : i32
    %add3A_14 = arith.addi %mul3A_12, %add3A_13 : i32
    "tpu.region"() ({
      %run_scoped3A = tpu.sem_alloc : memref<!tpu.dma_semaphore, #tpu.memory_space<semaphore_mem>>
      %dma_start3A_73 = arith.constant 0 : i32
      %dma_start3A_74 = tpu.memref_slice %arg9[%add3A_14, %dma_start3A_73] : memref<10240x128xf32, #tpu.memory_space<vmem_shared>> -> memref<128x128xf32, #tpu.memory_space<vmem_shared>>
      %dma_start3A_75 = arith.constant 0 : i32
      %dma_start3A_76 = tpu.memref_slice %arg9[%add3A_14, %dma_start3A_75] : memref<10240x128xf32, #tpu.memory_space<vmem_shared>> -> memref<128x128xf32, #tpu.memory_space<vmem_shared>>
      tpu.enqueue_dma source(%arg7 : memref<128x128xf32, #tpu.memory_space<vmem>>) target(%dma_start3A_76 : memref<128x128xf32, #tpu.memory_space<vmem_shared>>) target_semaphore(%run_scoped3A : memref<!tpu.dma_semaphore, #tpu.memory_space<semaphore_mem>>)
      %dma_wait3A_77 = arith.constant 0 : i32
      %dma_wait3A_78 = tpu.memref_slice %arg9[%add3A_14, %dma_wait3A_77] : memref<10240x128xf32, #tpu.memory_space<vmem_shared>> -> memref<128x128xf32, #tpu.memory_space<vmem_shared>>
      %dma_wait3A_79 = arith.constant 0 : i32
      %dma_wait3A_80 = tpu.memref_slice %arg9[%add3A_14, %dma_wait3A_79] : memref<10240x128xf32, #tpu.memory_space<vmem_shared>> -> memref<128x128xf32, #tpu.memory_space<vmem_shared>>
      tpu.wait_dma2 semaphore(%run_scoped3A : memref<!tpu.dma_semaphore, #tpu.memory_space<semaphore_mem>>) src(%arg7 : memref<128x128xf32, #tpu.memory_space<vmem>>) dst(%dma_wait3A_80 : memref<128x128xf32, #tpu.memory_space<vmem_shared>>)
      tpu.yield
    }) : () -> ()
    %mul3A_15 = arith.constant 640 : i32
    %mul3A_16 = arith.muli %arg1, %mul3A_15 : i32
    %add3A_17 = arith.constant 256 : i32
    %add3A_18 = arith.addi %mul3A_16, %add3A_17 : i32
    "tpu.region"() ({
      %run_scoped3A = tpu.sem_alloc : memref<!tpu.dma_semaphore, #tpu.memory_space<semaphore_mem>>
      %dma_start3A_73 = arith.constant 0 : i32
      %dma_start3A_74 = tpu.memref_slice %arg9[%add3A_18, %dma_start3A_73] : memref<10240x128xf32, #tpu.memory_space<vmem_shared>> -> memref<128x128xf32, #tpu.memory_space<vmem_shared>>
      %dma_start3A_75 = arith.constant 0 : i32
      %dma_start3A_76 = tpu.memref_slice %arg9[%add3A_18, %dma_start3A_75] : memref<10240x128xf32, #tpu.memory_space<vmem_shared>> -> memref<128x128xf32, #tpu.memory_space<vmem_shared>>
      tpu.enqueue_dma source(%arg7 : memref<128x128xf32, #tpu.memory_space<vmem>>) target(%dma_start3A_76 : memref<128x128xf32, #tpu.memory_space<vmem_shared>>) target_semaphore(%run_scoped3A : memref<!tpu.dma_semaphore, #tpu.memory_space<semaphore_mem>>)
      %dma_wait3A_77 = arith.constant 0 : i32
      %dma_wait3A_78 = tpu.memref_slice %arg9[%add3A_18, %dma_wait3A_77] : memref<10240x128xf32, #tpu.memory_space<vmem_shared>> -> memref<128x128xf32, #tpu.memory_space<vmem_shared>>
      %dma_wait3A_79 = arith.constant 0 : i32
      %dma_wait3A_80 = tpu.memref_slice %arg9[%add3A_18, %dma_wait3A_79] : memref<10240x128xf32, #tpu.memory_space<vmem_shared>> -> memref<128x128xf32, #tpu.memory_space<vmem_shared>>
      tpu.wait_dma2 semaphore(%run_scoped3A : memref<!tpu.dma_semaphore, #tpu.memory_space<semaphore_mem>>) src(%arg7 : memref<128x128xf32, #tpu.memory_space<vmem>>) dst(%dma_wait3A_80 : memref<128x128xf32, #tpu.memory_space<vmem_shared>>)
      tpu.yield
    }) : () -> ()
    %mul3A_19 = arith.constant 640 : i32
    %mul3A_20 = arith.muli %arg1, %mul3A_19 : i32
    %add3A_21 = arith.constant 384 : i32
    %add3A_22 = arith.addi %mul3A_20, %add3A_21 : i32
    "tpu.region"() ({
      %run_scoped3A = tpu.sem_alloc : memref<!tpu.dma_semaphore, #tpu.memory_space<semaphore_mem>>
      %dma_start3A_73 = arith.constant 0 : i32
      %dma_start3A_74 = tpu.memref_slice %arg9[%add3A_22, %dma_start3A_73] : memref<10240x128xf32, #tpu.memory_space<vmem_shared>> -> memref<128x128xf32, #tpu.memory_space<vmem_shared>>
      %dma_start3A_75 = arith.constant 0 : i32
      %dma_start3A_76 = tpu.memref_slice %arg9[%add3A_22, %dma_start3A_75] : memref<10240x128xf32, #tpu.memory_space<vmem_shared>> -> memref<128x128xf32, #tpu.memory_space<vmem_shared>>
      tpu.enqueue_dma source(%arg7 : memref<128x128xf32, #tpu.memory_space<vmem>>) target(%dma_start3A_76 : memref<128x128xf32, #tpu.memory_space<vmem_shared>>) target_semaphore(%run_scoped3A : memref<!tpu.dma_semaphore, #tpu.memory_space<semaphore_mem>>)
      %dma_wait3A_77 = arith.constant 0 : i32
      %dma_wait3A_78 = tpu.memref_slice %arg9[%add3A_22, %dma_wait3A_77] : memref<10240x128xf32, #tpu.memory_space<vmem_shared>> -> memref<128x128xf32, #tpu.memory_space<vmem_shared>>
      %dma_wait3A_79 = arith.constant 0 : i32
      %dma_wait3A_80 = tpu.memref_slice %arg9[%add3A_22, %dma_wait3A_79] : memref<10240x128xf32, #tpu.memory_space<vmem_shared>> -> memref<128x128xf32, #tpu.memory_space<vmem_shared>>
      tpu.wait_dma2 semaphore(%run_scoped3A : memref<!tpu.dma_semaphore, #tpu.memory_space<semaphore_mem>>) src(%arg7 : memref<128x128xf32, #tpu.memory_space<vmem>>) dst(%dma_wait3A_80 : memref<128x128xf32, #tpu.memory_space<vmem_shared>>)
      tpu.yield
    }) : () -> ()
    %mul3A_23 = arith.constant 640 : i32
    %mul3A_24 = arith.muli %arg1, %mul3A_23 : i32
    %add3A_25 = arith.constant 512 : i32
    %add3A_26 = arith.addi %mul3A_24, %add3A_25 : i32
    "tpu.region"() ({
      %run_scoped3A = tpu.sem_alloc : memref<!tpu.dma_semaphore, #tpu.memory_space<semaphore_mem>>
      %dma_start3A_73 = arith.constant 0 : i32
      %dma_start3A_74 = tpu.memref_slice %arg9[%add3A_26, %dma_start3A_73] : memref<10240x128xf32, #tpu.memory_space<vmem_shared>> -> memref<128x128xf32, #tpu.memory_space<vmem_shared>>
      %dma_start3A_75 = arith.constant 0 : i32
      %dma_start3A_76 = tpu.memref_slice %arg9[%add3A_26, %dma_start3A_75] : memref<10240x128xf32, #tpu.memory_space<vmem_shared>> -> memref<128x128xf32, #tpu.memory_space<vmem_shared>>
      tpu.enqueue_dma source(%arg7 : memref<128x128xf32, #tpu.memory_space<vmem>>) target(%dma_start3A_76 : memref<128x128xf32, #tpu.memory_space<vmem_shared>>) target_semaphore(%run_scoped3A : memref<!tpu.dma_semaphore, #tpu.memory_space<semaphore_mem>>)
      %dma_wait3A_77 = arith.constant 0 : i32
      %dma_wait3A_78 = tpu.memref_slice %arg9[%add3A_26, %dma_wait3A_77] : memref<10240x128xf32, #tpu.memory_space<vmem_shared>> -> memref<128x128xf32, #tpu.memory_space<vmem_shared>>
      %dma_wait3A_79 = arith.constant 0 : i32
      %dma_wait3A_80 = tpu.memref_slice %arg9[%add3A_26, %dma_wait3A_79] : memref<10240x128xf32, #tpu.memory_space<vmem_shared>> -> memref<128x128xf32, #tpu.memory_space<vmem_shared>>
      tpu.wait_dma2 semaphore(%run_scoped3A : memref<!tpu.dma_semaphore, #tpu.memory_space<semaphore_mem>>) src(%arg7 : memref<128x128xf32, #tpu.memory_space<vmem>>) dst(%dma_wait3A_80 : memref<128x128xf32, #tpu.memory_space<vmem_shared>>)
      tpu.yield
    }) : () -> ()
    %barrier3A = arith.constant 0 : index
    tpu.barrier barrier_id(%barrier3A)
    %mul3A_27 = arith.constant 80 : i32
    %mul3A_28 = arith.muli %add3A, %mul3A_27 : i32
    %dma_start3A = arith.constant 0 : i32
    %dma_start3A_29 = arith.constant 0 : i32
    %dma_start3A_30 = tpu.memref_slice %arg3[%mul3A_28, %dma_start3A, %dma_start3A_29] : memref<2560x2x128xi32, #tpu.memory_space<hbm>> -> memref<1x2x128xi32, #tpu.memory_space<hbm>>
    %dma_start3A_31 = tpu.memref_squeeze %dma_start3A_30 : memref<1x2x128xi32, #tpu.memory_space<hbm>> -> memref<2x128xi32, #tpu.memory_space<hbm>>
    %dma_start3A_32 = arith.constant 0 : i32
    %dma_start3A_33 = arith.constant 0 : i32
    %dma_start3A_34 = tpu.memref_slice %arg3[%mul3A_28, %dma_start3A_32, %dma_start3A_33] : memref<2560x2x128xi32, #tpu.memory_space<hbm>> -> memref<1x2x128xi32, #tpu.memory_space<hbm>>
    %dma_start3A_35 = tpu.memref_squeeze %dma_start3A_34 : memref<1x2x128xi32, #tpu.memory_space<hbm>> -> memref<2x128xi32, #tpu.memory_space<hbm>>
    tpu.enqueue_dma source(%dma_start3A_35 : memref<2x128xi32, #tpu.memory_space<hbm>>) target(%arg5 : memref<2x128xi32, #tpu.memory_space<vmem>>) target_semaphore(%arg10 : memref<!tpu.dma_semaphore, #tpu.memory_space<semaphore_mem>>)
    %add3A_36 = arith.constant 1 : i32
    %add3A_37 = arith.addi %mul3A_28, %add3A_36 : i32
    %dma_start3A_38 = arith.constant 0 : i32
    %dma_start3A_39 = arith.constant 0 : i32
    %dma_start3A_40 = tpu.memref_slice %arg3[%add3A_37, %dma_start3A_38, %dma_start3A_39] : memref<2560x2x128xi32, #tpu.memory_space<hbm>> -> memref<1x2x128xi32, #tpu.memory_space<hbm>>
    %dma_start3A_41 = tpu.memref_squeeze %dma_start3A_40 : memref<1x2x128xi32, #tpu.memory_space<hbm>> -> memref<2x128xi32, #tpu.memory_space<hbm>>
    %dma_start3A_42 = arith.constant 0 : i32
    %dma_start3A_43 = arith.constant 0 : i32
    %dma_start3A_44 = tpu.memref_slice %arg3[%add3A_37, %dma_start3A_42, %dma_start3A_43] : memref<2560x2x128xi32, #tpu.memory_space<hbm>> -> memref<1x2x128xi32, #tpu.memory_space<hbm>>
    %dma_start3A_45 = tpu.memref_squeeze %dma_start3A_44 : memref<1x2x128xi32, #tpu.memory_space<hbm>> -> memref<2x128xi32, #tpu.memory_space<hbm>>
    tpu.enqueue_dma source(%dma_start3A_45 : memref<2x128xi32, #tpu.memory_space<hbm>>) target(%arg6 : memref<2x128xi32, #tpu.memory_space<vmem>>) target_semaphore(%arg11 : memref<!tpu.dma_semaphore, #tpu.memory_space<semaphore_mem>>)
    %dma_wait3A = arith.constant 0 : i32
    %dma_wait3A_46 = arith.constant 0 : i32
    %dma_wait3A_47 = arith.constant 0 : i32
    %dma_wait3A_48 = tpu.memref_slice %arg3[%dma_wait3A, %dma_wait3A_46, %dma_wait3A_47] : memref<2560x2x128xi32, #tpu.memory_space<hbm>> -> memref<1x2x128xi32, #tpu.memory_space<hbm>>
    %dma_wait3A_49 = tpu.memref_squeeze %dma_wait3A_48 : memref<1x2x128xi32, #tpu.memory_space<hbm>> -> memref<2x128xi32, #tpu.memory_space<hbm>>
    %dma_wait3A_50 = arith.constant 0 : i32
    %dma_wait3A_51 = arith.constant 0 : i32
    %dma_wait3A_52 = tpu.memref_slice %arg3[%dma_wait3A, %dma_wait3A_50, %dma_wait3A_51] : memref<2560x2x128xi32, #tpu.memory_space<hbm>> -> memref<1x2x128xi32, #tpu.memory_space<hbm>>
    %dma_wait3A_53 = tpu.memref_squeeze %dma_wait3A_52 : memref<1x2x128xi32, #tpu.memory_space<hbm>> -> memref<2x128xi32, #tpu.memory_space<hbm>>
    tpu.wait_dma2 semaphore(%arg10 : memref<!tpu.dma_semaphore, #tpu.memory_space<semaphore_mem>>) src(%dma_wait3A_53 : memref<2x128xi32, #tpu.memory_space<hbm>>) dst(%arg5 : memref<2x128xi32, #tpu.memory_space<vmem>>)
    %dma_start3A_54 = arith.constant 0 : i32
    %dma_start3A_55 = arith.constant 0 : i32
    %dma_start3A_56 = tpu.memref_slice %arg5[%dma_start3A_54, %dma_start3A_55] : memref<2x128xi32, #tpu.memory_space<vmem>> -> memref<1x128xi32, #tpu.memory_space<vmem>>
    %dma_start3A_57 = tpu.memref_squeeze %dma_start3A_56 : memref<1x128xi32, #tpu.memory_space<vmem>> -> memref<128xi32, #tpu.memory_space<vmem>>
    %dma_start3A_58 = arith.constant 0 : i32
    %dma_start3A_59 = arith.constant 0 : i32
    %dma_start3A_60 = tpu.memref_slice %arg2[%dma_start3A_58, %dma_start3A_59] : memref<10000x128xf32, #tpu.memory_space<hbm>> -> memref<10000x128xf32, #tpu.memory_space<hbm>>
    tpu.enqueue_indirect_dma source(%dma_start3A_60 : memref<10000x128xf32, #tpu.memory_space<hbm>>) target(%arg7 : memref<128x128xf32, #tpu.memory_space<vmem>>) offsets(%dma_start3A_57 : memref<128xi32, #tpu.memory_space<vmem>>) semaphore(%arg12 : memref<!tpu.dma_semaphore, #tpu.memory_space<semaphore_mem>>)
    %scan3A_61 = arith.constant 0 : i32
    %scan3A_62 = arith.constant 0 : i32
    %scan3A_63 = arith.constant 40 : i32
    %scan3A_64 = arith.addi %scan3A_62, %scan3A_63 : i32
    %scan3A_65 = arith.constant 1 : i32
    %scan3A_66 = scf.for %scan3A_73 = %scan3A_62 to %scan3A_64 step %scan3A_65 iter_args(%scan3A_74 = %scan3A_61) -> (i32)  : i32 {
      %mul3A_75 = arith.constant 2 : i32
      %mul3A_76 = arith.muli %mul3A_75, %scan3A_73 : i32
      %add3A_77 = arith.constant 0 : i32
      %add3A_78 = arith.addi %mul3A_76, %add3A_77 : i32
      %dma_wait3A_79 = arith.constant 0 : i32
      %dma_wait3A_80 = arith.constant 0 : i32
      %dma_wait3A_81 = tpu.memref_slice %arg5[%dma_wait3A_79, %dma_wait3A_80] : memref<2x128xi32, #tpu.memory_space<vmem>> -> memref<1x128xi32, #tpu.memory_space<vmem>>
      %dma_wait3A_82 = tpu.memref_squeeze %dma_wait3A_81 : memref<1x128xi32, #tpu.memory_space<vmem>> -> memref<128xi32, #tpu.memory_space<vmem>>
      %dma_wait3A_83 = arith.constant 0 : i32
      %dma_wait3A_84 = arith.constant 0 : i32
      %dma_wait3A_85 = tpu.memref_slice %arg2[%dma_wait3A_83, %dma_wait3A_84] : memref<10000x128xf32, #tpu.memory_space<hbm>> -> memref<10000x128xf32, #tpu.memory_space<hbm>>
      tpu.wait_indirect_dma semaphore(%arg12 : memref<!tpu.dma_semaphore, #tpu.memory_space<semaphore_mem>>) src(%dma_wait3A_85 : memref<10000x128xf32, #tpu.memory_space<hbm>>) dst(%arg7 : memref<128x128xf32, #tpu.memory_space<vmem>>)
      %add3A_86 = arith.constant 1 : i32
      %add3A_87 = arith.addi %add3A_78, %add3A_86 : i32
      %lt3A = arith.constant 80 : i32
      %lt3A_88 = arith.cmpi slt, %add3A_87, %lt3A : i32
      %convert_element_type3A = arith.extui %lt3A_88 : i1 to i32
      %cond3A = arith.constant 0 : i32
      %cond3A_89 = arith.cmpi ne, %convert_element_type3A, %cond3A : i32
      scf.if %cond3A_89 {
        %dma_wait3A_124 = arith.constant 0 : i32
        %dma_wait3A_125 = arith.constant 0 : i32
        %dma_wait3A_126 = arith.constant 0 : i32
        %dma_wait3A_127 = tpu.memref_slice %arg3[%dma_wait3A_124, %dma_wait3A_125, %dma_wait3A_126] : memref<2560x2x128xi32, #tpu.memory_space<hbm>> -> memref<1x2x128xi32, #tpu.memory_space<hbm>>
        %dma_wait3A_128 = tpu.memref_squeeze %dma_wait3A_127 : memref<1x2x128xi32, #tpu.memory_space<hbm>> -> memref<2x128xi32, #tpu.memory_space<hbm>>
        %dma_wait3A_129 = arith.constant 0 : i32
        %dma_wait3A_130 = arith.constant 0 : i32
        %dma_wait3A_131 = tpu.memref_slice %arg3[%dma_wait3A_124, %dma_wait3A_129, %dma_wait3A_130] : memref<2560x2x128xi32, #tpu.memory_space<hbm>> -> memref<1x2x128xi32, #tpu.memory_space<hbm>>
        %dma_wait3A_132 = tpu.memref_squeeze %dma_wait3A_131 : memref<1x2x128xi32, #tpu.memory_space<hbm>> -> memref<2x128xi32, #tpu.memory_space<hbm>>
        tpu.wait_dma2 semaphore(%arg11 : memref<!tpu.dma_semaphore, #tpu.memory_space<semaphore_mem>>) src(%dma_wait3A_132 : memref<2x128xi32, #tpu.memory_space<hbm>>) dst(%arg6 : memref<2x128xi32, #tpu.memory_space<vmem>>)
        %dma_start3A_133 = arith.constant 0 : i32
        %dma_start3A_134 = arith.constant 0 : i32
        %dma_start3A_135 = tpu.memref_slice %arg6[%dma_start3A_133, %dma_start3A_134] : memref<2x128xi32, #tpu.memory_space<vmem>> -> memref<1x128xi32, #tpu.memory_space<vmem>>
        %dma_start3A_136 = tpu.memref_squeeze %dma_start3A_135 : memref<1x128xi32, #tpu.memory_space<vmem>> -> memref<128xi32, #tpu.memory_space<vmem>>
        %dma_start3A_137 = arith.constant 0 : i32
        %dma_start3A_138 = arith.constant 0 : i32
        %dma_start3A_139 = tpu.memref_slice %arg2[%dma_start3A_137, %dma_start3A_138] : memref<10000x128xf32, #tpu.memory_space<hbm>> -> memref<10000x128xf32, #tpu.memory_space<hbm>>
        tpu.enqueue_indirect_dma source(%dma_start3A_139 : memref<10000x128xf32, #tpu.memory_space<hbm>>) target(%arg8 : memref<128x128xf32, #tpu.memory_space<vmem>>) offsets(%dma_start3A_136 : memref<128xi32, #tpu.memory_space<vmem>>) semaphore(%arg13 : memref<!tpu.dma_semaphore, #tpu.memory_space<semaphore_mem>>)
      } else {
      }
      %run_scoped3A = arith.constant 1 : i32
      "tpu.region"() ({
        %run_scoped3A_124 = tpu.sem_alloc : memref<!tpu.dma_semaphore, #tpu.memory_space<semaphore_mem>>
        %dma_start3A_125 = arith.constant 0 : i32
        %dma_start3A_126 = tpu.memref_slice %arg5[%run_scoped3A, %dma_start3A_125] : memref<2x128xi32, #tpu.memory_space<vmem>> -> memref<1x128xi32, #tpu.memory_space<vmem>>
        %dma_start3A_127 = tpu.memref_squeeze %dma_start3A_126 : memref<1x128xi32, #tpu.memory_space<vmem>> -> memref<128xi32, #tpu.memory_space<vmem>>
        %dma_start3A_128 = arith.constant 0 : i32
        %dma_start3A_129 = arith.constant 0 : i32
        %dma_start3A_130 = tpu.memref_slice %arg9[%dma_start3A_128, %dma_start3A_129] : memref<10240x128xf32, #tpu.memory_space<vmem_shared>> -> memref<10240x128xf32, #tpu.memory_space<vmem_shared>>
        tpu.enqueue_indirect_dma source(%arg7 : memref<128x128xf32, #tpu.memory_space<vmem>>) target(%dma_start3A_130 : memref<10240x128xf32, #tpu.memory_space<vmem_shared>>) offsets(%dma_start3A_127 : memref<128xi32, #tpu.memory_space<vmem>>) semaphore(%run_scoped3A_124 : memref<!tpu.dma_semaphore, #tpu.memory_space<semaphore_mem>>) {add = true}
        %dma_wait3A_131 = arith.constant 0 : i32
        %dma_wait3A_132 = tpu.memref_slice %arg5[%run_scoped3A, %dma_wait3A_131] : memref<2x128xi32, #tpu.memory_space<vmem>> -> memref<1x128xi32, #tpu.memory_space<vmem>>
        %dma_wait3A_133 = tpu.memref_squeeze %dma_wait3A_132 : memref<1x128xi32, #tpu.memory_space<vmem>> -> memref<128xi32, #tpu.memory_space<vmem>>
        %dma_wait3A_134 = arith.constant 0 : i32
        %dma_wait3A_135 = arith.constant 0 : i32
        %dma_wait3A_136 = tpu.memref_slice %arg9[%dma_wait3A_134, %dma_wait3A_135] : memref<10240x128xf32, #tpu.memory_space<vmem_shared>> -> memref<10240x128xf32, #tpu.memory_space<vmem_shared>>
        tpu.wait_indirect_dma semaphore(%run_scoped3A_124 : memref<!tpu.dma_semaphore, #tpu.memory_space<semaphore_mem>>) src(%arg7 : memref<128x128xf32, #tpu.memory_space<vmem>>) dst(%dma_wait3A_136 : memref<10240x128xf32, #tpu.memory_space<vmem_shared>>)
        tpu.yield
      }) : () -> ()
      %add3A_90 = arith.constant 2 : i32
      %add3A_91 = arith.addi %add3A_78, %add3A_90 : i32
      %lt3A_92 = arith.constant 80 : i32
      %lt3A_93 = arith.cmpi slt, %add3A_91, %lt3A_92 : i32
      %convert_element_type3A_94 = arith.extui %lt3A_93 : i1 to i32
      %cond3A_95 = arith.constant 0 : i32
      %cond3A_96 = arith.cmpi ne, %convert_element_type3A_94, %cond3A_95 : i32
      scf.if %cond3A_96 {
        %add3A_124 = arith.addi %mul3A_28, %add3A_78 : i32
        %add3A_125 = arith.constant 2 : i32
        %add3A_126 = arith.addi %add3A_124, %add3A_125 : i32
        %dma_start3A_127 = arith.constant 0 : i32
        %dma_start3A_128 = arith.constant 0 : i32
        %dma_start3A_129 = tpu.memref_slice %arg3[%add3A_126, %dma_start3A_127, %dma_start3A_128] : memref<2560x2x128xi32, #tpu.memory_space<hbm>> -> memref<1x2x128xi32, #tpu.memory_space<hbm>>
        %dma_start3A_130 = tpu.memref_squeeze %dma_start3A_129 : memref<1x2x128xi32, #tpu.memory_space<hbm>> -> memref<2x128xi32, #tpu.memory_space<hbm>>
        %dma_start3A_131 = arith.constant 0 : i32
        %dma_start3A_132 = arith.constant 0 : i32
        %dma_start3A_133 = tpu.memref_slice %arg3[%add3A_126, %dma_start3A_131, %dma_start3A_132] : memref<2560x2x128xi32, #tpu.memory_space<hbm>> -> memref<1x2x128xi32, #tpu.memory_space<hbm>>
        %dma_start3A_134 = tpu.memref_squeeze %dma_start3A_133 : memref<1x2x128xi32, #tpu.memory_space<hbm>> -> memref<2x128xi32, #tpu.memory_space<hbm>>
        tpu.enqueue_dma source(%dma_start3A_134 : memref<2x128xi32, #tpu.memory_space<hbm>>) target(%arg5 : memref<2x128xi32, #tpu.memory_space<vmem>>) target_semaphore(%arg10 : memref<!tpu.dma_semaphore, #tpu.memory_space<semaphore_mem>>)
      } else {
      }
      %mul3A_97 = arith.constant 2 : i32
      %mul3A_98 = arith.muli %mul3A_97, %scan3A_73 : i32
      %add3A_99 = arith.constant 1 : i32
      %add3A_100 = arith.addi %mul3A_98, %add3A_99 : i32
      %dma_wait3A_101 = arith.constant 0 : i32
      %dma_wait3A_102 = arith.constant 0 : i32
      %dma_wait3A_103 = tpu.memref_slice %arg6[%dma_wait3A_101, %dma_wait3A_102] : memref<2x128xi32, #tpu.memory_space<vmem>> -> memref<1x128xi32, #tpu.memory_space<vmem>>
      %dma_wait3A_104 = tpu.memref_squeeze %dma_wait3A_103 : memref<1x128xi32, #tpu.memory_space<vmem>> -> memref<128xi32, #tpu.memory_space<vmem>>
      %dma_wait3A_105 = arith.constant 0 : i32
      %dma_wait3A_106 = arith.constant 0 : i32
      %dma_wait3A_107 = tpu.memref_slice %arg2[%dma_wait3A_105, %dma_wait3A_106] : memref<10000x128xf32, #tpu.memory_space<hbm>> -> memref<10000x128xf32, #tpu.memory_space<hbm>>
      tpu.wait_indirect_dma semaphore(%arg13 : memref<!tpu.dma_semaphore, #tpu.memory_space<semaphore_mem>>) src(%dma_wait3A_107 : memref<10000x128xf32, #tpu.memory_space<hbm>>) dst(%arg8 : memref<128x128xf32, #tpu.memory_space<vmem>>)
      %add3A_108 = arith.constant 1 : i32
      %add3A_109 = arith.addi %add3A_100, %add3A_108 : i32
      %lt3A_110 = arith.constant 80 : i32
      %lt3A_111 = arith.cmpi slt, %add3A_109, %lt3A_110 : i32
      %convert_element_type3A_112 = arith.extui %lt3A_111 : i1 to i32
      %cond3A_113 = arith.constant 0 : i32
      %cond3A_114 = arith.cmpi ne, %convert_element_type3A_112, %cond3A_113 : i32
      scf.if %cond3A_114 {
        %dma_wait3A_124 = arith.constant 0 : i32
        %dma_wait3A_125 = arith.constant 0 : i32
        %dma_wait3A_126 = arith.constant 0 : i32
        %dma_wait3A_127 = tpu.memref_slice %arg3[%dma_wait3A_124, %dma_wait3A_125, %dma_wait3A_126] : memref<2560x2x128xi32, #tpu.memory_space<hbm>> -> memref<1x2x128xi32, #tpu.memory_space<hbm>>
        %dma_wait3A_128 = tpu.memref_squeeze %dma_wait3A_127 : memref<1x2x128xi32, #tpu.memory_space<hbm>> -> memref<2x128xi32, #tpu.memory_space<hbm>>
        %dma_wait3A_129 = arith.constant 0 : i32
        %dma_wait3A_130 = arith.constant 0 : i32
        %dma_wait3A_131 = tpu.memref_slice %arg3[%dma_wait3A_124, %dma_wait3A_129, %dma_wait3A_130] : memref<2560x2x128xi32, #tpu.memory_space<hbm>> -> memref<1x2x128xi32, #tpu.memory_space<hbm>>
        %dma_wait3A_132 = tpu.memref_squeeze %dma_wait3A_131 : memref<1x2x128xi32, #tpu.memory_space<hbm>> -> memref<2x128xi32, #tpu.memory_space<hbm>>
        tpu.wait_dma2 semaphore(%arg10 : memref<!tpu.dma_semaphore, #tpu.memory_space<semaphore_mem>>) src(%dma_wait3A_132 : memref<2x128xi32, #tpu.memory_space<hbm>>) dst(%arg5 : memref<2x128xi32, #tpu.memory_space<vmem>>)
        %dma_start3A_133 = arith.constant 0 : i32
        %dma_start3A_134 = arith.constant 0 : i32
        %dma_start3A_135 = tpu.memref_slice %arg5[%dma_start3A_133, %dma_start3A_134] : memref<2x128xi32, #tpu.memory_space<vmem>> -> memref<1x128xi32, #tpu.memory_space<vmem>>
        %dma_start3A_136 = tpu.memref_squeeze %dma_start3A_135 : memref<1x128xi32, #tpu.memory_space<vmem>> -> memref<128xi32, #tpu.memory_space<vmem>>
        %dma_start3A_137 = arith.constant 0 : i32
        %dma_start3A_138 = arith.constant 0 : i32
        %dma_start3A_139 = tpu.memref_slice %arg2[%dma_start3A_137, %dma_start3A_138] : memref<10000x128xf32, #tpu.memory_space<hbm>> -> memref<10000x128xf32, #tpu.memory_space<hbm>>
        tpu.enqueue_indirect_dma source(%dma_start3A_139 : memref<10000x128xf32, #tpu.memory_space<hbm>>) target(%arg7 : memref<128x128xf32, #tpu.memory_space<vmem>>) offsets(%dma_start3A_136 : memref<128xi32, #tpu.memory_space<vmem>>) semaphore(%arg12 : memref<!tpu.dma_semaphore, #tpu.memory_space<semaphore_mem>>)
      } else {
      }
      %run_scoped3A_115 = arith.constant 1 : i32
      "tpu.region"() ({
        %run_scoped3A_124 = tpu.sem_alloc : memref<!tpu.dma_semaphore, #tpu.memory_space<semaphore_mem>>
        %dma_start3A_125 = arith.constant 0 : i32
        %dma_start3A_126 = tpu.memref_slice %arg6[%run_scoped3A_115, %dma_start3A_125] : memref<2x128xi32, #tpu.memory_space<vmem>> -> memref<1x128xi32, #tpu.memory_space<vmem>>
        %dma_start3A_127 = tpu.memref_squeeze %dma_start3A_126 : memref<1x128xi32, #tpu.memory_space<vmem>> -> memref<128xi32, #tpu.memory_space<vmem>>
        %dma_start3A_128 = arith.constant 0 : i32
        %dma_start3A_129 = arith.constant 0 : i32
        %dma_start3A_130 = tpu.memref_slice %arg9[%dma_start3A_128, %dma_start3A_129] : memref<10240x128xf32, #tpu.memory_space<vmem_shared>> -> memref<10240x128xf32, #tpu.memory_space<vmem_shared>>
        tpu.enqueue_indirect_dma source(%arg8 : memref<128x128xf32, #tpu.memory_space<vmem>>) target(%dma_start3A_130 : memref<10240x128xf32, #tpu.memory_space<vmem_shared>>) offsets(%dma_start3A_127 : memref<128xi32, #tpu.memory_space<vmem>>) semaphore(%run_scoped3A_124 : memref<!tpu.dma_semaphore, #tpu.memory_space<semaphore_mem>>) {add = true}
        %dma_wait3A_131 = arith.constant 0 : i32
        %dma_wait3A_132 = tpu.memref_slice %arg6[%run_scoped3A_115, %dma_wait3A_131] : memref<2x128xi32, #tpu.memory_space<vmem>> -> memref<1x128xi32, #tpu.memory_space<vmem>>
        %dma_wait3A_133 = tpu.memref_squeeze %dma_wait3A_132 : memref<1x128xi32, #tpu.memory_space<vmem>> -> memref<128xi32, #tpu.memory_space<vmem>>
        %dma_wait3A_134 = arith.constant 0 : i32
        %dma_wait3A_135 = arith.constant 0 : i32
        %dma_wait3A_136 = tpu.memref_slice %arg9[%dma_wait3A_134, %dma_wait3A_135] : memref<10240x128xf32, #tpu.memory_space<vmem_shared>> -> memref<10240x128xf32, #tpu.memory_space<vmem_shared>>
        tpu.wait_indirect_dma semaphore(%run_scoped3A_124 : memref<!tpu.dma_semaphore, #tpu.memory_space<semaphore_mem>>) src(%arg8 : memref<128x128xf32, #tpu.memory_space<vmem>>) dst(%dma_wait3A_136 : memref<10240x128xf32, #tpu.memory_space<vmem_shared>>)
        tpu.yield
      }) : () -> ()
      %add3A_116 = arith.constant 2 : i32
      %add3A_117 = arith.addi %add3A_100, %add3A_116 : i32
      %lt3A_118 = arith.constant 80 : i32
      %lt3A_119 = arith.cmpi slt, %add3A_117, %lt3A_118 : i32
      %convert_element_type3A_120 = arith.extui %lt3A_119 : i1 to i32
      %cond3A_121 = arith.constant 0 : i32
      %cond3A_122 = arith.cmpi ne, %convert_element_type3A_120, %cond3A_121 : i32
      scf.if %cond3A_122 {
        %add3A_124 = arith.addi %mul3A_28, %add3A_100 : i32
        %add3A_125 = arith.constant 2 : i32
        %add3A_126 = arith.addi %add3A_124, %add3A_125 : i32
        %dma_start3A_127 = arith.constant 0 : i32
        %dma_start3A_128 = arith.constant 0 : i32
        %dma_start3A_129 = tpu.memref_slice %arg3[%add3A_126, %dma_start3A_127, %dma_start3A_128] : memref<2560x2x128xi32, #tpu.memory_space<hbm>> -> memref<1x2x128xi32, #tpu.memory_space<hbm>>
        %dma_start3A_130 = tpu.memref_squeeze %dma_start3A_129 : memref<1x2x128xi32, #tpu.memory_space<hbm>> -> memref<2x128xi32, #tpu.memory_space<hbm>>
        %dma_start3A_131 = arith.constant 0 : i32
        %dma_start3A_132 = arith.constant 0 : i32
        %dma_start3A_133 = tpu.memref_slice %arg3[%add3A_126, %dma_start3A_131, %dma_start3A_132] : memref<2560x2x128xi32, #tpu.memory_space<hbm>> -> memref<1x2x128xi32, #tpu.memory_space<hbm>>
        %dma_start3A_134 = tpu.memref_squeeze %dma_start3A_133 : memref<1x2x128xi32, #tpu.memory_space<hbm>> -> memref<2x128xi32, #tpu.memory_space<hbm>>
        tpu.enqueue_dma source(%dma_start3A_134 : memref<2x128xi32, #tpu.memory_space<hbm>>) target(%arg6 : memref<2x128xi32, #tpu.memory_space<vmem>>) target_semaphore(%arg11 : memref<!tpu.dma_semaphore, #tpu.memory_space<semaphore_mem>>)
      } else {
      }
      %scan3A_123 = arith.constant 0 : i32
      scf.yield %scan3A_123 : i32
    }
    %scan3A_67 = arith.constant 40 : i32
    %barrier3A_68 = arith.constant 0 : index
    tpu.barrier barrier_id(%barrier3A_68)
    %mul3A_69 = arith.constant 640 : i32
    %mul3A_70 = arith.muli %arg1, %mul3A_69 : i32
    %mul3A_71 = arith.constant 640 : i32
    %mul3A_72 = arith.muli %arg1, %mul3A_71 : i32
    "tpu.region"() ({
      %run_scoped3A = tpu.sem_alloc : memref<!tpu.dma_semaphore, #tpu.memory_space<semaphore_mem>>
      %dma_start3A_73 = arith.constant 0 : i32
      %dma_start3A_74 = tpu.memref_slice %arg4[%arg0, %mul3A_72, %dma_start3A_73] : memref<2x10240x128xf32, #tpu.memory_space<hbm>> -> memref<1x640x128xf32, #tpu.memory_space<hbm>>
      %dma_start3A_75 = tpu.memref_squeeze %dma_start3A_74 : memref<1x640x128xf32, #tpu.memory_space<hbm>> -> memref<640x128xf32, #tpu.memory_space<hbm>>
      %dma_start3A_76 = arith.constant 0 : i32
      %dma_start3A_77 = tpu.memref_slice %arg9[%mul3A_70, %dma_start3A_76] : memref<10240x128xf32, #tpu.memory_space<vmem_shared>> -> memref<640x128xf32, #tpu.memory_space<vmem_shared>>
      tpu.enqueue_dma source(%dma_start3A_77 : memref<640x128xf32, #tpu.memory_space<vmem_shared>>) target(%dma_start3A_75 : memref<640x128xf32, #tpu.memory_space<hbm>>) target_semaphore(%run_scoped3A : memref<!tpu.dma_semaphore, #tpu.memory_space<semaphore_mem>>)
      %dma_wait3A_78 = arith.constant 0 : i32
      %dma_wait3A_79 = tpu.memref_slice %arg4[%arg0, %mul3A_72, %dma_wait3A_78] : memref<2x10240x128xf32, #tpu.memory_space<hbm>> -> memref<1x640x128xf32, #tpu.memory_space<hbm>>
      %dma_wait3A_80 = tpu.memref_squeeze %dma_wait3A_79 : memref<1x640x128xf32, #tpu.memory_space<hbm>> -> memref<640x128xf32, #tpu.memory_space<hbm>>
      %dma_wait3A_81 = arith.constant 0 : i32
      %dma_wait3A_82 = tpu.memref_slice %arg9[%mul3A_70, %dma_wait3A_81] : memref<10240x128xf32, #tpu.memory_space<vmem_shared>> -> memref<640x128xf32, #tpu.memory_space<vmem_shared>>
      tpu.wait_dma2 semaphore(%run_scoped3A : memref<!tpu.dma_semaphore, #tpu.memory_space<semaphore_mem>>) src(%dma_wait3A_82 : memref<640x128xf32, #tpu.memory_space<vmem_shared>>) dst(%dma_wait3A_80 : memref<640x128xf32, #tpu.memory_space<hbm>>)
      tpu.yield
    }) : () -> ()
    return
  }
}

module attributes {stable_mosaic.version = 14 : i64} {
  func.func @_tc_dense_body(%arg0: memref<2x10240x128xf32, #tpu.memory_space<vmem>>, %arg1: memref<10000x128xf32, #tpu.memory_space<vmem>>, %arg2: memref<128x128xf32, #tpu.memory_space<vmem>>, %arg3: memref<1x128xf32, #tpu.memory_space<vmem>>, %arg4: memref<128x128xf32, #tpu.memory_space<vmem>>, %arg5: memref<1x128xf32, #tpu.memory_space<vmem>>, %arg6: memref<1x128xf32, #tpu.memory_space<vmem>>, %arg7: memref<1x128xf32, #tpu.memory_space<vmem>>, %arg8: memref<10000x128xf32, #tpu.memory_space<vmem>>) attributes {dimension_semantics = [], scalar_prefetch = 0 : i64, scratch_operands = 0 : i64, tpu.core_type = #tpu.core_type<tc>} {
    %get3A = arith.constant 0 : index
    %get3A_0 = arith.constant 0 : index
    %get3A_1 = arith.constant 0 : index
    %get3A_2 = vector.load %arg0[%get3A, %get3A_0, %get3A_1] : memref<2x10240x128xf32, #tpu.memory_space<vmem>>, vector<1x10240x128xf32>
    %get3A_3 = vector.shape_cast %get3A_2 : vector<1x10240x128xf32> to vector<10240x128xf32>
    %get3A_4 = arith.constant 1 : index
    %get3A_5 = arith.constant 0 : index
    %get3A_6 = arith.constant 0 : index
    %get3A_7 = vector.load %arg0[%get3A_4, %get3A_5, %get3A_6] : memref<2x10240x128xf32, #tpu.memory_space<vmem>>, vector<1x10240x128xf32>
    %get3A_8 = vector.shape_cast %get3A_7 : vector<1x10240x128xf32> to vector<10240x128xf32>
    %add3A = arith.addf %get3A_3, %get3A_8 : vector<10240x128xf32>
    %slice3A = vector.extract_strided_slice %add3A {offsets = [0, 0], sizes = [10000, 128], strides = [1, 1]} : vector<10240x128xf32> to vector<10000x128xf32>
    %get3A_9 = arith.constant 0 : index
    %get3A_10 = arith.constant 0 : index
    %get3A_11 = vector.load %arg2[%get3A_9, %get3A_10] : memref<128x128xf32, #tpu.memory_space<vmem>>, vector<128x128xf32>
    %dot_general3A = arith.constant dense<0.000000e+00> : vector<10000x128xf32>
    %dot_general3A_12 = tpu.matmul %slice3A, %get3A_11, %dot_general3A {dimension_numbers = #tpu.dot_dimension_numbers<[1], [0], [0], [1], [0, 0, 1, 1], [], []>, transpose_lhs_hint = false} : vector<10000x128xf32>, vector<128x128xf32>, vector<10000x128xf32> -> vector<10000x128xf32>
    %get3A_13 = arith.constant 0 : index
    %get3A_14 = arith.constant 0 : index
    %get3A_15 = vector.load %arg3[%get3A_13, %get3A_14] : memref<1x128xf32, #tpu.memory_space<vmem>>, vector<1x128xf32>
    %add3A_16 = vector.broadcast %get3A_15 : vector<1x128xf32> to vector<10000x128xf32>
    %add3A_17 = arith.addf %dot_general3A_12, %add3A_16 : vector<10000x128xf32>
    %max3A = arith.constant 0.000000e+00 : f32
    %max3A_18 = vector.broadcast %max3A : f32 to vector<10000x128xf32>
    %max3A_19 = arith.maximumf %add3A_17, %max3A_18 : vector<10000x128xf32>
    %get3A_20 = arith.constant 0 : index
    %get3A_21 = arith.constant 0 : index
    %get3A_22 = vector.load %arg1[%get3A_20, %get3A_21] : memref<10000x128xf32, #tpu.memory_space<vmem>>, vector<10000x128xf32>
    %get3A_23 = arith.constant 0 : index
    %get3A_24 = arith.constant 0 : index
    %get3A_25 = vector.load %arg4[%get3A_23, %get3A_24] : memref<128x128xf32, #tpu.memory_space<vmem>>, vector<128x128xf32>
    %dot_general3A_26 = arith.constant dense<0.000000e+00> : vector<10000x128xf32>
    %dot_general3A_27 = tpu.matmul %get3A_22, %get3A_25, %dot_general3A_26 {dimension_numbers = #tpu.dot_dimension_numbers<[1], [0], [0], [1], [0, 0, 1, 1], [], []>, transpose_lhs_hint = false} : vector<10000x128xf32>, vector<128x128xf32>, vector<10000x128xf32> -> vector<10000x128xf32>
    %get3A_28 = arith.constant 0 : index
    %get3A_29 = arith.constant 0 : index
    %get3A_30 = vector.load %arg5[%get3A_28, %get3A_29] : memref<1x128xf32, #tpu.memory_space<vmem>>, vector<1x128xf32>
    %add3A_31 = vector.broadcast %get3A_30 : vector<1x128xf32> to vector<10000x128xf32>
    %add3A_32 = arith.addf %dot_general3A_27, %add3A_31 : vector<10000x128xf32>
    %max3A_33 = arith.constant 0.000000e+00 : f32
    %max3A_34 = vector.broadcast %max3A_33 : f32 to vector<10000x128xf32>
    %max3A_35 = arith.maximumf %add3A_32, %max3A_34 : vector<10000x128xf32>
    %add3A_36 = arith.addf %max3A_19, %max3A_35 : vector<10000x128xf32>
    %reduce_sum3A = arith.constant dense<0.000000e+00> : vector<128xf32>
    %reduce_sum3A_37 = vector.multi_reduction <add>, %add3A_36, %reduce_sum3A [0] : vector<10000x128xf32> to vector<128xf32>
    %broadcast_in_dim3A = vector.shape_cast %reduce_sum3A_37 : vector<128xf32> to vector<1x128xf32>
    %div3A = arith.constant 1.000000e+04 : f32
    %div3A_38 = vector.broadcast %div3A : f32 to vector<1x128xf32>
    %div3A_39 = arith.divf %broadcast_in_dim3A, %div3A_38 : vector<1x128xf32>
    %sub3A = vector.broadcast %div3A_39 : vector<1x128xf32> to vector<10000x128xf32>
    %sub3A_40 = arith.subf %add3A_36, %sub3A : vector<10000x128xf32>
    %mul3A = arith.mulf %sub3A_40, %sub3A_40 : vector<10000x128xf32>
    %reduce_sum3A_41 = arith.constant dense<0.000000e+00> : vector<128xf32>
    %reduce_sum3A_42 = vector.multi_reduction <add>, %mul3A, %reduce_sum3A_41 [0] : vector<10000x128xf32> to vector<128xf32>
    %broadcast_in_dim3A_43 = vector.shape_cast %reduce_sum3A_42 : vector<128xf32> to vector<1x128xf32>
    %div3A_44 = arith.constant 1.000000e+04 : f32
    %div3A_45 = vector.broadcast %div3A_44 : f32 to vector<1x128xf32>
    %div3A_46 = arith.divf %broadcast_in_dim3A_43, %div3A_45 : vector<1x128xf32>
    %add3A_47 = arith.constant 9.99999974E-6 : f32
    %add3A_48 = vector.broadcast %add3A_47 : f32 to vector<1x128xf32>
    %add3A_49 = arith.addf %div3A_46, %add3A_48 : vector<1x128xf32>
    %rsqrt3A = math.rsqrt %add3A_49 : vector<1x128xf32>
    %mul3A_50 = vector.broadcast %rsqrt3A : vector<1x128xf32> to vector<10000x128xf32>
    %mul3A_51 = arith.mulf %sub3A_40, %mul3A_50 : vector<10000x128xf32>
    %get3A_52 = arith.constant 0 : index
    %get3A_53 = arith.constant 0 : index
    %get3A_54 = vector.load %arg6[%get3A_52, %get3A_53] : memref<1x128xf32, #tpu.memory_space<vmem>>, vector<1x128xf32>
    %mul3A_55 = vector.broadcast %get3A_54 : vector<1x128xf32> to vector<10000x128xf32>
    %mul3A_56 = arith.mulf %mul3A_51, %mul3A_55 : vector<10000x128xf32>
    %get3A_57 = arith.constant 0 : index
    %get3A_58 = arith.constant 0 : index
    %get3A_59 = vector.load %arg7[%get3A_57, %get3A_58] : memref<1x128xf32, #tpu.memory_space<vmem>>, vector<1x128xf32>
    %add3A_60 = vector.broadcast %get3A_59 : vector<1x128xf32> to vector<10000x128xf32>
    %add3A_61 = arith.addf %mul3A_56, %add3A_60 : vector<10000x128xf32>
    %swap3A = arith.constant 0 : index
    %swap3A_62 = arith.constant 0 : index
    %swap3A_63 = vector.load %arg8[%swap3A, %swap3A_62] : memref<10000x128xf32, #tpu.memory_space<vmem>>, vector<10000x128xf32>
    tpu.vector_store %arg8[%swap3A, %swap3A_62], %add3A_61 {strides = array<i32>} : memref<10000x128xf32, #tpu.memory_space<vmem>>, vector<10000x128xf32>,
    return
  }
}

</mosaic_0001>

<sc_bundles>
// kernel: kernel.4.cloned.1.call-start
scs
__scs_entry_jumppad:
0x0: {  	(pc) =	sbr.rel $0x88, $3  }
0x1: {  	(tag) =	ssettag $0x0;
	lr =	simm.s32 $0x1  }
0x2: {  	[smem:$0x3F99] =	sst lr;
	_ =	strace $0xD0000000  }
0x3: {  	_ = 	snop  }
0x4: {  	_ = 	snop  }
0x5: {  	_ = 	snop  }
0x6: {  	_ = 	snop  }
0x7: {  	_ = 	snop  }
__scs_overlays_trampoline_lowered:
0x8: {  	[smem:$0x3FA8] =	sst s0  }
0x9: {  	[smem:$0x3FA9] =	sst s1  }
0xa: {  	[smem:$0x3FAA] =	sst s2  }
0xb: {  	[smem:$0x3FAB] =	sst s3  }
0xc: {  	[smem:$0x3FAC] =	sst s4  }
0xd: {  	[smem:$0x3FAD] =	sst s5  }
0xe: {  	[smem:$0x3FAE] =	sst s6  }
0xf: {  	[smem:$0x3FAF] =	sst s7  }
0x10: {  	[smem:$0x3FB0] =	sst s8  }
0x11: {  	[smem:$0x3FB1] =	sst s9;
	s0 =	simm.s32 @!p0 $0x0  }
0x12: {  	s1 =	sld [smem:$0x3F97];
	s0 =	simm.s32 @p0 $0x1  }
0x13: {  	[smem:$0x3FB2] =	sst s0;
	s0 =	simm.s32 @!p1 $0x0  }
0x14: {  	s2 =	sld [smem:$0x3F96];
	s0 =	simm.s32 @p1 $0x1  }
0x15: {  	[smem:$0x3FB3] =	sst s0;
	s0 =	simm.s32 @!p2 $0x0  }
0x16: {  	s3 =	sld [smem:$0x3FDB];
	s0 =	simm.s32 @p2 $0x1  }
0x17: {  	s4 =	simm.s32 $0x1BF5;
	[smem:$0x3FB5] =	sst s0  }
0x18: {  	s0 =	sld [smem:$0x3F98];
	_ =	swait.ge [sflag:s4], $0x0  }
0x19: {  	s7 =	sld [smem:$0x3F99]  }
0x1a: {  	s8 =	sadd.s32 $0xFFFFE003, lr  }
0x1b: {  	s9 =	sadd.s32 $0xFFFFFEF7, lr;
	s5 =	simm.s32 $0xFFFFFFFF;
	p2 =	slt.u32 s8, $0xFFFFF086  }
0x1c: {  	p1 =	slt.u32 s9, $0xF7A;
	s5 =	simm.s32 @!p2 $0x0  }
0x1d: {  	s5 =	simm.s32 @p1 $0x1;
	p0 =	seq.s32 s7, s2  }
0x1e: {  	s7 =	smul.u32 @!p0 $0xF7A, s2;
	p2 =	seq.s32 @!p0 s5, $0x0  }
0x1f: {  	s9 =	smul.u32 $0xF7A, s1;
	s8 =	simm.s32 @!p0 $0x1BF5;
	p2 =	por !p2, p0  }
0x20: {  	[sflag:s8] =	ssyncset.s32 @!p0 $0xFFFFF086;
	s6 =	sadd.s32 @!p0 s3, s7;
	s7 =	simm.s32 @!p0 $0x108  }
0x21: {  	s3 =	sadd.s32 s3, s9;
	s6 =	sadd.s32 @!p0 $0x88, s6;
	s7 =	simm.s32 @p2 $0x1082  }
0x22: {  	[simem:s7], [sflag:s8] =	dma.local @!p0 [hbm:s6], $0xF7A  }
0x23: {  	s9 =	sor.u32 $0xD0000000, s2;
	s6 =	simm.s32 $0x108;
	_ =	swait.ge @!p0 [sflag:s8], $0x0  }
0x24: {  	s3 =	sadd.s32 $0x88, s3;
	s6 =	simm.s32 @!p1 $0x1082;
	[sflag:s4] =	ssyncset.s32 $0xFFFFF086  }
0x25: {  	[simem:s6], [sflag:s4] =	dma.local [hbm:s3], $0xF7A  }
0x26: {  	[smem:$0x3F99] =	sst s1;
	(tag) =	ssettag s2;
	_ =	strace s9  }
0x27: {  	s1 =	sld [smem:$0x3FA9]  }
0x28: {  	s2 =	sld [smem:$0x3FAA]  }
0x29: {  	s4 =	sld [smem:$0x3FAC]  }
0x2a: {  	p0 =	seq.s32 s5, $0x0;
	s5 =	sld [smem:$0x3FAD]  }
0x2b: {  	s6 =	sld [smem:$0x3FAE]  }
0x2c: {  	s7 =	sld [smem:$0x3FAF]  }
0x2d: {  	s3 =	simm.s32 $0x108;
	s8 =	sld [smem:$0x3FB0]  }
0x2e: {  	s3 =	simm.s32 @!p0 $0x1082;
	s9 =	sld [smem:$0x3FB1]  }
0x2f: {  	lr =	sadd.s32 s0, s3;
	s0 =	sld [smem:$0x3FA8]  }
0x30: {  	s3 =	sld [smem:$0x3FAB]  }
0x31: {  	[smem:$0x3FB4] =	sst s10  }
0x32: {  	s10 =	sld [smem:$0x3FB2];
	_ =	sdelay $0x3  }
0x33: {  	p0 =	seq.s32 s10, $0x1;
	s10 =	sld [smem:$0x3FB4];
	_ =	sdelay $0x3  }
0x34: {  	[smem:$0x3FB4] =	sst s10  }
0x35: {  	s10 =	sld [smem:$0x3FB3];
	_ =	sdelay $0x3  }
0x36: {  	p1 =	seq.s32 s10, $0x1;
	s10 =	sld [smem:$0x3FB4];
	_ =	sdelay $0x3  }
0x37: {  	[smem:$0x3FB4] =	sst s10  }
0x38: {  	s10 =	sld [smem:$0x3FB5]  }
0x39: {  	_ = 	snop;
	(pc) =	sbr.ind lr, $3  }
0x3a: {  	_ = 	snop  }
0x3b: {  	_ = 	snop  }
0x3c: {  	p2 =	seq.s32 s10, $0x1;
	s10 =	sld [smem:$0x3FB4]  }
0x3d: {  	_ =	shalt  }
0x3e: {  	_ =	shalt  }
0x3f: {  	_ =	shalt  }
0x40: {  	_ =	shalt  }
0x41: {  	_ =	shalt  }
0x42: {  	_ =	shalt  }
0x43: {  	_ =	shalt  }
0x44: {  	_ =	shalt  }
0x45: {  	_ =	shalt  }
0x46: {  	_ =	shalt  }
0x47: {  	_ =	shalt  }
0x48: {  	_ =	shalt  }
0x49: {  	_ =	shalt  }
0x4a: {  	_ =	shalt  }
0x4b: {  	_ =	shalt  }
0x4c: {  	_ =	shalt  }
0x4d: {  	_ =	shalt  }
0x4e: {  	_ =	shalt  }
0x4f: {  	_ =	shalt  }
0x50: {  	_ =	shalt  }
0x51: {  	_ =	shalt  }
0x52: {  	_ =	shalt  }
0x53: {  	_ =	shalt  }
0x54: {  	_ =	shalt  }
0x55: {  	_ =	shalt  }
0x56: {  	_ =	shalt  }
0x57: {  	_ =	shalt  }
0x58: {  	_ =	shalt  }
0x59: {  	_ =	shalt  }
0x5a: {  	_ =	shalt  }
0x5b: {  	_ =	shalt  }
0x5c: {  	_ =	shalt  }
0x5d: {  	_ =	shalt  }
0x5e: {  	_ =	shalt  }
0x5f: {  	_ =	shalt  }
0x60: {  	_ =	shalt  }
0x61: {  	_ =	shalt  }
0x62: {  	_ =	shalt  }
0x63: {  	_ =	shalt  }
0x64: {  	_ =	shalt  }
0x65: {  	_ =	shalt  }
0x66: {  	_ =	shalt  }
0x67: {  	_ =	shalt  }
0x68: {  	_ =	shalt  }
0x69: {  	_ =	shalt  }
0x6a: {  	_ =	shalt  }
0x6b: {  	_ =	shalt  }
0x6c: {  	_ =	shalt  }
0x6d: {  	_ =	shalt  }
0x6e: {  	_ =	shalt  }
0x6f: {  	_ =	shalt  }
0x70: {  	_ =	shalt  }
0x71: {  	_ =	shalt  }
0x72: {  	_ =	shalt  }
0x73: {  	_ =	shalt  }
0x74: {  	_ =	shalt  }
0x75: {  	_ =	shalt  }
0x76: {  	_ =	shalt  }
0x77: {  	_ =	shalt  }
0x78: {  	_ =	shalt  }
0x79: {  	_ =	shalt  }
0x7a: {  	_ =	shalt  }
0x7b: {  	_ =	shalt  }
0x7c: {  	_ =	shalt  }
0x7d: {  	_ =	shalt  }
0x7e: {  	_ =	shalt  }
0x7f: {  	_ =	shalt  }
0x80: {  	_ =	shalt  }
0x81: {  	_ =	shalt  }
0x82: {  	_ =	shalt  }
0x83: {  	_ =	shalt  }
0x84: {  	_ =	shalt  }
0x85: {  	_ =	shalt  }
0x86: {  	_ =	shalt  }
0x87: {  	_ =	shalt  }
.Lfunc_end0:
.L_simem_size_0:
called_computation_lowered:
.L_overlay_start_0:
0x88: {  	s2 =	sld [smem:$0x3FD9]  }
0x89: {  	s3 =	sld [smem:$0x3FFE];
	_ =	sdelay $0x1  }
0x8a: {  	s1 =	srdreg.scid  }
0x8b: {  	s0 =	sand.u32 $0x1, s1  }
0x8c: {  	s17 =	sshll.u32 s0, $0xA;
	s2 =	sadd.s32 s3, s2  }
0x8d: {  	s2 =	sadd.s32 s2, s17  }
0x8e: {  	[smem:$0x3FC0] =	sst s2  }
0x8f: {  	_ = 	snop  }
0x90: {  	s2 =	sld [smem:$0x3FC9]  }
0x91: {  	s18 =	sld [smem:$0x3FD0];
	(tm) =	ssettm $0x1  }
0x92: {  	s4 =	sld [smem:$0x3FFB];
	_ =	sdelay $0x3  }
0x93: {  	_ =	strace s4  }
0x94: {  	s4 =	sld [smem:$0x3FFC];
	_ =	sdelay $0x3  }
0x95: {  	_ =	strace s4  }
0x96: {  	s4 =	sld [smem:$0x3FFD];
	_ =	sdelay $0x3  }
0x97: {  	_ =	strace s4  }
0x98: {  	_ =	strace $0x8FFFFFFF  }
0x99: {  	s19 =	sld [smem:$0x3FDB];
	_ =	sdelay $0x1  }
0x9a: {  	s5 =	simm.s32 $_scs_section_size  }
0x9b: {  	s6 =	simm.s32 $_size__tile_overlayer_lowered;
	s7 =	simm.s32 $_tile_overlayer_lowered  }
0x9c: {  	s22 =	simm.s32 $0x1BFF;
	s21 =	sshll.u32 s7, $0x1;
	s4 =	sadd.s32 s5, s19  }
0x9d: {  	s8 =	simm.s32 $0x0;
	s20 =	sshll.u32 s6, $0x1;
	s6 =	sadd.s32 s21, s4  }
0x9e: {  	[timem:s8], [sflag:s22] =	dma.local [hbm:s6], s20  }
0x9f: {  	_ =	swait.ge [sflag:s22], s20  }
0xa0: {  	s5 =	ssub.s32 $0x0, s20;
	[sflag:s22] =	ssyncset.done $0x0  }
0xa1: {  	[sflag:s22] =	ssyncadd.s32 s5;
	_ =	sdelay $0x1  }
0xa2: {  	s23 =	simm.s32 $0x1B8B  }
0xa3: {  	_ =	swait.ge [sflag:s23], $0x1  }
0xa4: {  	[sflag:s23] =	ssyncset.done $0x0  }
0xa5: {  	s25 =	simm.s32 $0x1B8E;
	s24 =	sld [smem:$0x3FFE];
	[sflag:s23] =	ssyncadd.s32 $0xFFFFFFFF  }
0xa6: {  	s26 =	simm.s32 $execute0_lowered;
	[smem:$0x3FD2] =	sst s25  }
0xa7: {  	s6 =	sshll.u32 s26, $0x1;
	_ =	strace $0x80000046;
	[dreg:$0x1] =	wrdreg $0xFFFFFFFF  }
0xa8: {  	s28 =	simm.s32 $_size_execute0_lowered;
	s4 =	sadd.s32 s4, s6;
	[dreg:$0x0] =	wrdreg $0x0  }
0xa9: {  	s6 =	sshll.u32 s28, $0x1;
	[dreg:$0x2] =	wrdreg s4  }
0xaa: {  	[dreg:$0x3] =	wrdreg s6  }
0xab: {  	[dreg:$0x4] =	wrdreg $0xC0  }
0xac: {  	_ =	task [dreg:s8], $0x5FFFF  }
0xad: {  	[dreg:$0x1] =	wrdreg $0xFFFFFFFF  }
0xae: {  	[dreg:$0x0] =	wrdreg $0x60  }
0xaf: {  	[dreg:$0x2] =	wrdreg s2  }
0xb0: {  	[dreg:$0x3] =	wrdreg s18  }
0xb1: {  	[dreg:$0x4] =	wrdreg s24  }
0xb2: {  	[dreg:$0x5] =	wrdreg $0x82000  }
0xb3: {  	[dreg:$0x6] =	wrdreg $0x9  }
0xb4: {  	_ =	task.clear_ibuf [dreg:s8], $0x7FFFF;
	_ =	strace $0x90000046  }
0xb5: {  	s29 =	simm.s32 $0x9;
	_ =	strace $0x80000048  }
0xb6: {  	_ =	swait.ge [sflag:s29], $0x1  }
0xb7: {  	[sflag:s29] =	ssyncadd.s32 $0xFFFFFFFF  }
0xb8: {  	_ =	strace $0x90000048  }
0xb9: {  	_ =	sfence  }
0xba: {  	s30 =	sld [smem:$0x0];
	_ =	sdelay $0x2  }
0xbb: {  	s31 =	sshll.u32 s1, $0xD;
	s1 =	sshrl.u32 s1, $0x2  }
0xbc: {  	s3 =	sand.u32 $0x4000, s31;
	s1 =	sadd.s32 s1, s30  }
0xbd: {  	s0 =	sor.u32 s3, s0;
	s1 =	sshll.u32 s1, $0x11  }
0xbe: {  	s0 =	sor.u32 s1, s0  }
0xbf: {  	s0 =	sadd.s32 $0x8F2B, s0  }
0xc0: {  	[sflag:s0] =	ssyncadd.remote.s32 $0x1  }
0xc1: {  	_ =	sfence.sel $0xFFFF  }
0xc2: {  	[dreg:$0x0] =	wrdreg $0xFFFFFFFF;
	(pc) =	sbr.abs _section_cstart, $3  }
0xc3: {  	[dreg:$0x1] =	wrdreg $0xFFFFFFFF  }
0xc4: {  	_ =	task.clear_ibuf [dreg:s8], $0x2FFFF;
	_ =	strace $0x9FFFFFFF  }
0xc5: {  	(tm) =	ssettm $0x7FFFFFFF  }
tec
execute0_lowered:
.L_overlay_start_1:
0x0: {  	(tag) =	ssettag $0x1  }
0x1: {  	s1 =	rddreg [dreg:$0x0]  }
0x2: {  	s14 =	rddreg [dreg:$0x1]  }
0x3: {  	s6 =	rddreg [dreg:$0x2]  }
0x4: {  	s3 =	rddreg [dreg:$0x3]  }
0x5: {  	s0 =	srdreg.scid;
	s2 =	rddreg [dreg:$0x4]  }
0x6: {  	s4 =	simm.s32 $0x0;
	s18 =	simm.s32 $0x1;
	s19 =	simm.s32 $0x80  }
0x7: {  	s20 =	simm.s32 $0x3;
	s21 =	simm.s32 $0x2;
	s12 =	sand.u32 $0x1, s0  }
0x8: {  	s22 =	simm.s32 $0x4200;
	s0 =	stileid.u32;
	s5 =	smul.u32 $0x140000, s12  }
0x9: {  	s23 =	simm.s32 $0x4;
	s24 =	simm.s32 $0x180;
	s7 =	smul.u32 $0x14000, s0  }
0xa: {  	s25 =	simm.s32 $0x0;
	[smem:$0x7FF] =	sst s4;
	s26 =	smul.u32 $0x50000, s0  }
0xb: {  	_ =	strace $0x80000047;
	s28 =	sshll.u32 s0, $0x1;
	s16 =	smul.u32 $0x1400, s0  }
0xc: {  	s29 =	ssub.s32 $0x2, s12;
	s17 =	smul.u32 $0xA00, s12;
	s8 =	sor.u32 s12, s28  }
0xd: {  	s31 =	sshrl.u32 s29, $0x1;
	s5 =	sadd.s32 s7, s5;
	s9 =	smul.u32 $0xA00, s8  }
0xe: {  	s30 =	sshrl.u32 s26, $0x2;
	s15 =	ssub.s32 s29, s31;
	s5 =	sshrl.u32 s5, $0x3  }
0xf: {  	s13 =	sadd.s32 s5, s6;
	s5 =	sadd.s32 s30, s3;
	s9 =	sadd.s32 s14, s9  }
0x10: {  	s14 =	sadd.s32 s16, s14;
	s16 =	simm.s32 $0x5;
	s6 =	sadd.s32 $0x4000, s5  }
0x11: {  	s7 =	sadd.s32 $0x8000, s5;
	s8 =	sadd.s32 $0xC000, s5;
	s10 =	sadd.s32 $0x10000, s5  }
0x12: {  	s11 =	sadd.s32 $0x20, s9;
	s12 =	sadd.s32 $0x1200, s13;
	s13 =	smax.u32 s15, $0x1  }
0x13: {  	v0 =	vimm.f32 $0.0e+00;
	s14 =	sadd.s32 s17, s14;
	s15 =	simm.s32 $0x200;
	s17 =	simm.s32 $0x100  }
.LBB2_1:
0x14: {  	s26 =	simm.s32 $0x0;
	s28 =	simm.s32 $0x200  }
.LBB2_2:
0x15: {  	p0 =	sne.s32 s28, $0xFE00;
	[tilespmem:s26+$0x270] =	vst v0  }
0x16: {  	[tilespmem:s26+$0x200] =	vst v0  }
0x17: {  	[tilespmem:s26+$0x210] =	vst v0  }
.Ltmp0:
0x18: {  	[tilespmem:s26+$0x220] =	vst v0;
	(pc) =	sbr.rel @p0 .LBB2_2-.Ltmp0, $4  }
0x19: {  	[tilespmem:s26+$0x230] =	vst v0  }
0x1a: {  	[tilespmem:s26+$0x240] =	vst v0  }
0x1b: {  	[tilespmem:s26+$0x250] =	vst v0  }
0x1c: {  	[tilespmem:s26+$0x260] =	vst v0;
	s26 =	sshra.s32 s28, $0x2;
	s28 =	sadd.s32 $0x200, s28  }
0x1d: {  	[tilespmem:s26+$0x270] =	vst v0  }
0x1e: {  	[tilespmem:s26+$0x200] =	vst v0  }
0x1f: {  	[tilespmem:s26+$0x210] =	vst v0  }
0x20: {  	[tilespmem:s26+$0x220] =	vst v0  }
0x21: {  	[tilespmem:s26+$0x230] =	vst v0  }
0x22: {  	[tilespmem:s26+$0x240] =	vst v0  }
0x23: {  	[tilespmem:s26+$0x250] =	vst v0  }
0x24: {  	[tilespmem:s26+$0x260] =	vst v0  }
0x25: {  	[spmem:s5] =	stream.linear.scatter [tilespmem:s15], [sflag:$0x5], $0x4000, $0x38;
	[tilespmem:$0x1C200] =	vst v63  }
0x26: {  	_ =	swait.ge [sflag:s16], $0x4000  }
0x27: {  	[sflag:s16] =	ssyncset.done $0x0  }
0x28: {  	[sflag:s16] =	ssyncadd.s32 $0xFFFFC000  }
0x29: {  	[spmem:s6] =	stream.linear.scatter [tilespmem:s15], [sflag:$0x5], $0x4000, $0x38;
	[tilespmem:$0x1C200] =	vst v63  }
0x2a: {  	_ =	swait.ge [sflag:s16], $0x4000  }
0x2b: {  	[sflag:s16] =	ssyncset.done $0x0  }
0x2c: {  	[sflag:s16] =	ssyncadd.s32 $0xFFFFC000  }
0x2d: {  	[spmem:s7] =	stream.linear.scatter [tilespmem:s15], [sflag:$0x5], $0x4000, $0x38;
	[tilespmem:$0x1C200] =	vst v63  }
0x2e: {  	_ =	swait.ge [sflag:s16], $0x4000  }
0x2f: {  	[sflag:s16] =	ssyncset.done $0x0  }
0x30: {  	[sflag:s16] =	ssyncadd.s32 $0xFFFFC000  }
0x31: {  	[spmem:s8] =	stream.linear.scatter [tilespmem:s15], [sflag:$0x5], $0x4000, $0x38;
	[tilespmem:$0x1C200] =	vst v63  }
0x32: {  	_ =	swait.ge [sflag:s16], $0x4000  }
0x33: {  	[sflag:s16] =	ssyncset.done $0x0  }
0x34: {  	[sflag:s16] =	ssyncadd.s32 $0xFFFFC000  }
0x35: {  	[spmem:s10] =	stream.linear.scatter [tilespmem:s15], [sflag:$0x5], $0x4000, $0x38;
	[tilespmem:$0x1C200] =	vst v63  }
0x36: {  	_ =	swait.ge [sflag:s16], $0x4000  }
0x37: {  	[sflag:s16] =	ssyncset.done $0x0  }
0x38: {  	[sflag:s16] =	ssyncadd.s32 $0xFFFFC000  }
0x39: {  	[bflag:$0x0] =	sbarrier.arrive $0xFFFF  }
0x3a: {  	[tilespmem:s4], [sflag:$0x1] =	stream.linear.gather [hbm4b:s9+s4], $0x100, $0x38;
	[tilespmem:$0x1C200] =	vst v63  }
0x3b: {  	_ = 	snop  }
0x3c: {  	[tilespmem:s17], [sflag:$0x2] =	stream.linear.gather [hbm4b:s11+s4], $0x100, $0x38;
	[tilespmem:$0x1C200] =	vst v63  }
0x3d: {  	_ =	swait.ge [sflag:s18], $0x100  }
0x3e: {  	[sflag:s18] =	ssyncset.done $0x0  }
0x3f: {  	[sflag:s18] =	ssyncadd.s32 $0xFFFFFF00  }
0x40: {  	[tilespmem:s15], [sflag:$0x3] =	stream.indirect.gather [hbm4b:s1+s19], $0x80, s4, s19, $0xb8;
	[tilespmem:$0x1C200] =	vst v63  }
0x41: {  	_ =	swait.ge [sflag:s20], $0x4000  }
0x42: {  	[sflag:s20] =	ssyncset.done $0x0  }
0x43: {  	[sflag:s20] =	ssyncadd.s32 $0xFFFFC000  }
0x44: {  	_ =	swait.ge [sflag:s21], $0x100  }
0x45: {  	[sflag:s21] =	ssyncset.done $0x0  }
0x46: {  	[sflag:s21] =	ssyncadd.s32 $0xFFFFFF00  }
0x47: {  	[tilespmem:s22], [sflag:$0x4] =	stream.indirect.gather [hbm4b:s1+s19], $0x80, s17, s19, $0xb8;
	[tilespmem:$0x1C200] =	vst v63  }
0x48: {  	_ = 	snop  }
0x49: {  	[spmem:s3] =	stream.indirect.scatter.add.f32 [tilespmem:s15], [sflag:$0x5], $0x80, s19, s19, $0xb8;
	[tilespmem:$0x1C200] =	vst v63  }
0x4a: {  	_ =	swait.ge [sflag:s16], $0x4000  }
0x4b: {  	s28 =	sadd.s32 $0xFFFFF640, s14;
	[sflag:s16] =	ssyncset.done $0x0  }
0x4c: {  	s31 =	sadd.s32 $0xA00, s28;
	[sflag:s16] =	ssyncadd.s32 $0xFFFFC000  }
0x4d: {  	[tilespmem:s4], [sflag:$0x1] =	stream.linear.gather [hbm4b:s31+s4], $0x100, $0x38;
	[tilespmem:$0x1C200] =	vst v63  }
0x4e: {  	_ =	swait.ge [sflag:s23], $0x4000  }
0x4f: {  	[sflag:s23] =	ssyncset.done $0x0  }
0x50: {  	[sflag:s23] =	ssyncadd.s32 $0xFFFFC000  }
0x51: {  	_ =	swait.ge [sflag:s18], $0x100  }
0x52: {  	[sflag:s18] =	ssyncset.done $0x0  }
0x53: {  	[sflag:s18] =	ssyncadd.s32 $0xFFFFFF00  }
0x54: {  	[tilespmem:s15], [sflag:$0x3] =	stream.indirect.gather [hbm4b:s1+s19], $0x80, s4, s19, $0xb8;
	[tilespmem:$0x1C200] =	vst v63  }
0x55: {  	_ = 	snop  }
0x56: {  	[spmem:s3] =	stream.indirect.scatter.add.f32 [tilespmem:s22], [sflag:$0x5], $0x80, s24, s19, $0xb8;
	[tilespmem:$0x1C200] =	vst v63  }
0x57: {  	_ =	swait.ge [sflag:s16], $0x4000  }
0x58: {  	[sflag:s16] =	ssyncset.done $0x0  }
0x59: {  	s26 =	simm.s32 $0xFFFFF680;
	s28 =	sadd.s32 $0xA20, s28;
	[sflag:s16] =	ssyncadd.s32 $0xFFFFC000  }
.LBB2_4:
0x5a: {  	[tilespmem:s17], [sflag:$0x2] =	stream.linear.gather [hbm4b:s28+s4], $0x100, $0x38;
	[tilespmem:$0x1C200] =	vst v63  }
0x5b: {  	s28 =	smov.u32 s26  }
0x5c: {  	p0 =	sne.s32 s26, $0xFFFFFFC0;
	s26 =	sadd.s32 $0x40, s26;
	_ =	swait.ge [sflag:s20], $0x4000  }
0x5d: {  	[sflag:s20] =	ssyncset.done $0x0  }
0x5e: {  	[sflag:s20] =	ssyncadd.s32 $0xFFFFC000  }
0x5f: {  	_ =	swait.ge [sflag:s21], $0x100  }
0x60: {  	[sflag:s21] =	ssyncset.done $0x0  }
0x61: {  	[sflag:s21] =	ssyncadd.s32 $0xFFFFFF00  }
0x62: {  	[tilespmem:s22], [sflag:$0x4] =	stream.indirect.gather [hbm4b:s1+s19], $0x80, s17, s19, $0xb8;
	[tilespmem:$0x1C200] =	vst v63  }
0x63: {  	_ = 	snop  }
0x64: {  	[spmem:s3] =	stream.indirect.scatter.add.f32 [tilespmem:s15], [sflag:$0x5], $0x80, s19, s19, $0xb8;
	[tilespmem:$0x1C200] =	vst v63  }
0x65: {  	_ =	swait.ge [sflag:s16], $0x4000  }
0x66: {  	s28 =	sadd.s32 s28, s14;
	[sflag:s16] =	ssyncset.done $0x0  }
0x67: {  	s29 =	sadd.s32 $0xA00, s28;
	[sflag:s16] =	ssyncadd.s32 $0xFFFFC000  }
0x68: {  	[tilespmem:s4], [sflag:$0x1] =	stream.linear.gather [hbm4b:s29+s4], $0x100, $0x38;
	[tilespmem:$0x1C200] =	vst v63  }
0x69: {  	_ =	swait.ge [sflag:s23], $0x4000  }
0x6a: {  	[sflag:s23] =	ssyncset.done $0x0  }
0x6b: {  	[sflag:s23] =	ssyncadd.s32 $0xFFFFC000  }
0x6c: {  	_ =	swait.ge [sflag:s18], $0x100  }
0x6d: {  	[sflag:s18] =	ssyncset.done $0x0  }
0x6e: {  	[sflag:s18] =	ssyncadd.s32 $0xFFFFFF00  }
0x6f: {  	[tilespmem:s15], [sflag:$0x3] =	stream.indirect.gather [hbm4b:s1+s19], $0x80, s4, s19, $0xb8;
	[tilespmem:$0x1C200] =	vst v63  }
.Ltmp1:
0x70: {  	(pc) =	sbr.rel @p0 .LBB2_4-.Ltmp1, $4  }
0x71: {  	[spmem:s3] =	stream.indirect.scatter.add.f32 [tilespmem:s22], [sflag:$0x5], $0x80, s24, s19, $0xb8;
	[tilespmem:$0x1C200] =	vst v63  }
0x72: {  	_ =	swait.ge [sflag:s16], $0x4000  }
0x73: {  	[sflag:s16] =	ssyncset.done $0x0  }
0x74: {  	s28 =	sadd.s32 $0xA20, s28;
	[sflag:s16] =	ssyncadd.s32 $0xFFFFC000  }
0x75: {  	[tilespmem:s17], [sflag:$0x2] =	stream.linear.gather [hbm4b:s28+s4], $0x100, $0x38;
	[tilespmem:$0x1C200] =	vst v63  }
0x76: {  	_ =	swait.ge [sflag:s20], $0x4000  }
0x77: {  	[sflag:s20] =	ssyncset.done $0x0  }
0x78: {  	[sflag:s20] =	ssyncadd.s32 $0xFFFFC000  }
0x79: {  	_ =	swait.ge [sflag:s21], $0x100  }
0x7a: {  	[sflag:s21] =	ssyncset.done $0x0  }
0x7b: {  	[sflag:s21] =	ssyncadd.s32 $0xFFFFFF00  }
0x7c: {  	[tilespmem:s22], [sflag:$0x4] =	stream.indirect.gather [hbm4b:s1+s19], $0x80, s17, s19, $0xb8;
	[tilespmem:$0x1C200] =	vst v63  }
0x7d: {  	_ = 	snop  }
0x7e: {  	[spmem:s3] =	stream.indirect.scatter.add.f32 [tilespmem:s15], [sflag:$0x5], $0x80, s19, s19, $0xb8;
	[tilespmem:$0x1C200] =	vst v63  }
0x7f: {  	_ =	swait.ge [sflag:s16], $0x4000  }
0x80: {  	[sflag:s16] =	ssyncset.done $0x0  }
0x81: {  	[sflag:s16] =	ssyncadd.s32 $0xFFFFC000  }
0x82: {  	_ =	swait.ge [sflag:s23], $0x4000  }
0x83: {  	[sflag:s23] =	ssyncset.done $0x0  }
0x84: {  	[sflag:s23] =	ssyncadd.s32 $0xFFFFC000  }
0x85: {  	[spmem:s3] =	stream.indirect.scatter.add.f32 [tilespmem:s22], [sflag:$0x5], $0x80, s24, s19, $0xb8;
	[tilespmem:$0x1C200] =	vst v63  }
0x86: {  	_ =	swait.ge [sflag:s16], $0x4000  }
0x87: {  	s26 =	sshll.u32 s0, $0x6;
	s25 =	sadd.s32 $0x1, s25;
	[sflag:s16] =	ssyncset.done $0x0  }
0x88: {  	s31 =	sshrl.u32 s5, $0x3;
	p0 =	sne.s32 s25, s13;
	[sflag:s16] =	ssyncadd.s32 $0xFFFFC000  }
.Ltmp2:
0x89: {  	s26 =	sor.u32 $0x1C05, s26;
	[bflag:$0x0] =	sbarrier.arrive $0xFFFF;
	(pc) =	sbr.rel @p0 .LBB2_1-.Ltmp2, $4  }
0x8a: {  	[hbm:s12], [sflag:s26] =	dma.local [spmem:s31], $0x2800  }
0x8b: {  	_ =	swait.ge [sflag:s16], $0x2800  }
0x8c: {  	[sflag:s16] =	ssyncset.done $0x0  }
0x8d: {  	[sflag:s16] =	ssyncadd.s32 $0xFFFFD800  }
0x8e: {  	_ =	sfence.sel $0x180000  }
0x8f: {  	[bflag:$0x0] =	sbarrier.arrive $0xFFFF  }
0x90: {  	p0 =	sne.s32 s0, $0x0;
	_ =	strace $0x90000047  }
0x91: {  	s0 =	sadd.s32 @!p0 $0x100000, s2;
	[bflag:$0x2] =	sbarrier.arrive $0xFFFF  }
0x92: {  	[sflag:s0] =	ssyncadd.tile.s32 @!p0 $0x1;
	_ =	shalt  }
.Lfunc_end2:
_tile_overlayer_lowered:
.L_overlay_start_2:
0x93: {  	(tag) =	ssettag $0x2  }
0x94: {  	s0 =	rddreg [dreg:$0x0];
	s2 =	stileid.u32  }
0x95: {  	s1 =	rddreg [dreg:$0x1];
	p0 =	sne.s32 s2, $0x0  }
0x96: {  	s3 =	rddreg [dreg:$0x2];
	[bflag:$0x3] =	sbarrier.arrive $0xFFFF;
	s2 =	simm.s32 @!p0 $0x1C05  }
0x97: {  	[timem:s3], [sflag:s2] =	dma.local @!p0 [hbm:s0], s1  }
0x98: {  	s0 =	simm.s32 @!p0 $0x5  }
0x99: {  	_ =	swait.ge @!p0 [sflag:s0], s1  }
0x9a: {  	s1 =	ssub.s32 @!p0 $0x0, s1;
	[sflag:s0] =	ssyncset.done @!p0 $0x0  }
0x9b: {  	[sflag:s0] =	ssyncadd.s32 @!p0 s1  }
0x9c: {  	[bflag:$0x3] =	sbarrier.arrive $0xFFFF  }
0x9d: {  	_ =	shalt  }

</sc_bundles>
